<compile_context>
chip_gen: v7x
topology: tpu7x:2x2x1
jax: 0.10.2.dev20260603
libtpu: 0.0.44.dev20260713+nightly
codegen_flags: <defaults>
</compile_context>

<pallas_src>
import jax
import jax.numpy as jnp
from jax import lax
from jax.experimental import pallas as pl
from jax.experimental.pallas import tpu as pltpu
from jax.experimental.pallas import tpu_sc as plsc

V = 1000
VP = 1024
N = 1024 * 50
NW = 32
NT = N // NW
C = 32
G = NT // C
LC = 80
LG = NT // LC


def _lse_body(tab_ref, lse_ref):
    x = tab_ref[...]
    m = jnp.max(x, axis=1, keepdims=True)
    s = jnp.sum(jnp.exp(x - m), axis=1, keepdims=True)
    lse_ref[...] = m + jnp.log(s)


def _reduce_body(part_ref, out_ref):
    out_ref[...] = (jnp.sum(part_ref[...]) * (1.0 / N)).reshape(1, 1)


def _sc_loss_body(idx_hbm, tgt_hbm, tabf_hbm, lse_hbm,
                  part_hbm,
                  idxt, tgtt, flatt, valt, lse_v, accv, psem):
    wid = lax.axis_index("s") * 2 + lax.axis_index("c")
    base = wid * NT

    pltpu.sync_copy(lse_hbm, lse_v)
    pltpu.sync_copy(idx_hbm.at[pl.ds(base, NT)], idxt)
    pltpu.sync_copy(tgt_hbm.at[pl.ds(base, NT)], tgtt)

    def flat_body(j, carry):
        sl = pl.ds(j * 16, 16)
        flatt[sl] = idxt[sl] * V + tgtt[sl]
        return carry

    lax.fori_loop(0, NT // 16, flat_body, 0)

    def fire_body(k, carry):
        sl = pl.ds(k * LC, LC)
        pltpu.async_copy(tabf_hbm.at[flatt.at[sl]], valt.at[sl], psem)
        return carry

    lax.fori_loop(0, LG, fire_body, 0)
    pltpu.make_async_copy(tabf_hbm.at[flatt], valt, psem).wait()

    zeros16 = jnp.zeros((16,), jnp.int32)

    def acc_body(j, acc):
        sl = pl.ds(j * 16, 16)
        lse_g = plsc.load_gather(lse_v, [idxt[sl], zeros16])
        return acc + (lse_g - valt[sl])

    acc = lax.fori_loop(0, NT // 16, acc_body, jnp.zeros((16,), jnp.float32))
    accv[...] = acc
    pltpu.sync_copy(accv, part_hbm.at[wid])


def _sc_gather_body(idx_hbm, table_hbm, out_hbm,
                    idxb0, idxb1, rows0, rows1,
                    gsem0, gsem1, ssem0, ssem1):
    wid = lax.axis_index("s") * 2 + lax.axis_index("c")
    base = wid * NT

    pltpu.sync_copy(idx_hbm.at[pl.ds(base, C)], idxb0)
    pltpu.async_copy(table_hbm.at[idxb0], rows0, gsem0)
    pltpu.sync_copy(idx_hbm.at[pl.ds(base + C, C)], idxb1)
    pltpu.async_copy(table_hbm.at[idxb1], rows1, gsem1)

    def main_body(i, carry):
        c0 = 2 * i
        c1 = 2 * i + 1
        pltpu.make_async_copy(table_hbm.at[idxb0], rows0, gsem0).wait()
        pltpu.async_copy(rows0, out_hbm.at[pl.ds(base + c0 * C, C)], ssem0)
        pltpu.make_async_copy(table_hbm.at[idxb1], rows1, gsem1).wait()
        pltpu.async_copy(rows1, out_hbm.at[pl.ds(base + c1 * C, C)], ssem1)
        pltpu.make_async_copy(rows0, out_hbm.at[pl.ds(base + c0 * C, C)],
                              ssem0).wait()

        @pl.when(c0 + 2 < G)
        def _():
            pltpu.sync_copy(idx_hbm.at[pl.ds(base + (c0 + 2) * C, C)], idxb0)
            pltpu.async_copy(table_hbm.at[idxb0], rows0, gsem0)

        pltpu.make_async_copy(rows1, out_hbm.at[pl.ds(base + c1 * C, C)],
                              ssem1).wait()

        @pl.when(c1 + 2 < G)
        def _():
            pltpu.sync_copy(idx_hbm.at[pl.ds(base + (c1 + 2) * C, C)], idxb1)
            pltpu.async_copy(table_hbm.at[idxb1], rows1, gsem1)

        return carry

    lax.fori_loop(0, G // 2, main_body, 0)


_MESH = dict(core_axis_name="c", subcore_axis_name="s")


def kernel(idx, target, table):
    idx_f = idx.reshape(-1).astype(jnp.int32)
    tgt_f = target.reshape(-1).astype(jnp.int32)
    table = table.astype(jnp.float32)

    lse = pl.pallas_call(
        _lse_body,
        out_shape=jax.ShapeDtypeStruct((V, 1), jnp.float32),
    )(table)

    loss_call = pl.kernel(
        _sc_loss_body,
        out_type=jax.ShapeDtypeStruct((NW, 16), jnp.float32),
        mesh=plsc.VectorSubcoreMesh(**_MESH),
        compiler_params=pltpu.CompilerParams(use_tc_tiling_on_sc=False,
                                             needs_layout_passes=False),
        scratch_types=[
            pltpu.VMEM((NT,), jnp.int32),
            pltpu.VMEM((NT,), jnp.int32),
            pltpu.VMEM((NT,), jnp.int32),
            pltpu.VMEM((NT,), jnp.float32),
            pltpu.VMEM((V, 1), jnp.float32),
            pltpu.VMEM((16,), jnp.float32),
            pltpu.SemaphoreType.DMA,
        ],
    )
    part = loss_call(idx_f, tgt_f, table.reshape(-1), lse)

    gather_call = pl.kernel(
        _sc_gather_body,
        out_type=jax.ShapeDtypeStruct((N, VP), jnp.float32),
        mesh=plsc.VectorSubcoreMesh(**_MESH),
        compiler_params=pltpu.CompilerParams(needs_layout_passes=False),
        scratch_types=[
            pltpu.VMEM((C,), jnp.int32),
            pltpu.VMEM((C,), jnp.int32),
            pltpu.VMEM((C, VP), jnp.float32),
            pltpu.VMEM((C, VP), jnp.float32),
            pltpu.SemaphoreType.DMA,
            pltpu.SemaphoreType.DMA,
            pltpu.SemaphoreType.DMA,
            pltpu.SemaphoreType.DMA,
        ],
    )
    table_pad = jnp.pad(table, ((0, 0), (0, VP - V)))
    out_pad = gather_call(idx_f, table_pad)
    logits2 = out_pad[:, :V]

    loss = pl.pallas_call(
        _reduce_body,
        out_shape=jax.ShapeDtypeStruct((1, 1), jnp.float32),
    )(part)

    return logits2, loss.reshape(())

# --- scband reference (transcript-rebuilt; emitter-appended) ---
"""Pipeline reference for scband-bigram-lm-24060406792713 (READ-ONLY COPY).

The authoritative reference and input builder live on the scoring server;
editing this copy changes nothing except your own understanding.
"""

import jax, jax.numpy as jnp
import numpy as np

V = 1000
B, T = 1024, 50

def setup_inputs(seed: int = 0) -> dict:
    key = jax.random.key(seed)
    k1, k2, k3 = jax.random.split(key, 3)
    idx = jax.random.randint(k1, (B, T), 0, V)
    target = jax.random.randint(k2, (B, T), 0, V)
    # nn.Embedding default init: N(0, 1)
    table = jax.random.normal(k3, (V, V), dtype=jnp.float32)
    return {"idx": idx, "target": target, "table": table}

def reference(idx, target, table):
    # logits = self.table(idx)
    logits = jnp.take(table, idx, axis=0)  # (B, T, V)
    b, t, c = logits.shape
    logits2 = logits.reshape(b * t, c)
    tgt = target.reshape(b * t)
    # F.cross_entropy = mean over tokens of -log_softmax(logits)[target]
    logp = jax.nn.log_softmax(logits2, axis=-1)
    nll = -jnp.take_along_axis(logp, tgt[:, None], axis=1)[:, 0]
    loss = jnp.mean(nll)
    return (logits2, loss)

if __name__ == "__main__":
    import jax
    _d = setup_inputs()
    print(jax.jit(kernel)(*tuple(_d.values())))

</pallas_src>

<mosaic_0001>
#map = affine_map<(d0, d1) -> (0)>
#map1 = affine_map<(d0, d1) -> (0, 0)>
module attributes {stable_mosaic.version = 14 : i64} {
  func.func @_sc_gather_body(%arg0: i32, %arg1: i32, %arg2: memref<51200xi32, #tpu.memory_space<hbm>>, %arg3: memref<1000x1024xf32, #tpu.memory_space<hbm>>, %arg4: memref<51200x1024xf32, #tpu.memory_space<hbm>>, %arg5: memref<32xi32, #tpu.memory_space<vmem>>, %arg6: memref<32xi32, #tpu.memory_space<vmem>>, %arg7: memref<32x1024xf32, #tpu.memory_space<vmem>>, %arg8: memref<32x1024xf32, #tpu.memory_space<vmem>>, %arg9: memref<!tpu.dma_semaphore, #tpu.memory_space<semaphore_mem>>, %arg10: memref<!tpu.dma_semaphore, #tpu.memory_space<semaphore_mem>>, %arg11: memref<!tpu.dma_semaphore, #tpu.memory_space<semaphore_mem>>, %arg12: memref<!tpu.dma_semaphore, #tpu.memory_space<semaphore_mem>>) attributes {dimension_semantics = [#tpu.dimension_semantics<core_parallel>, #tpu.dimension_semantics<subcore_parallel>], iteration_bounds = array<i64: 2, 16>, scalar_prefetch = 0 : i64, scratch_operands = 8 : i64, tpu.core_type = #tpu.core_type<sc_vector_subcore>, window_params = [{transform_indices = #map}, {transform_indices = #map1}, {transform_indices = #map1}]} {
    %mul3A = arith.constant 2 : i32
    %mul3A_0 = arith.muli %arg1, %mul3A : i32
    %add3A = arith.addi %mul3A_0, %arg0 : i32
    %mul3A_1 = arith.constant 1600 : i32
    %mul3A_2 = arith.muli %add3A, %mul3A_1 : i32
    "tpu.region"() ({
      %run_scoped3A = tpu.sem_alloc : memref<!tpu.dma_semaphore, #tpu.memory_space<semaphore_mem>>
      %dma_start3A_15 = tpu.memref_slice %arg2[%mul3A_2] : memref<51200xi32, #tpu.memory_space<hbm>> -> memref<32xi32, #tpu.memory_space<hbm>>
      %dma_start3A_16 = tpu.memref_slice %arg2[%mul3A_2] : memref<51200xi32, #tpu.memory_space<hbm>> -> memref<32xi32, #tpu.memory_space<hbm>>
      tpu.enqueue_dma source(%dma_start3A_16 : memref<32xi32, #tpu.memory_space<hbm>>) target(%arg5 : memref<32xi32, #tpu.memory_space<vmem>>) target_semaphore(%run_scoped3A : memref<!tpu.dma_semaphore, #tpu.memory_space<semaphore_mem>>)
      %dma_wait3A = tpu.memref_slice %arg2[%mul3A_2] : memref<51200xi32, #tpu.memory_space<hbm>> -> memref<32xi32, #tpu.memory_space<hbm>>
      %dma_wait3A_17 = tpu.memref_slice %arg2[%mul3A_2] : memref<51200xi32, #tpu.memory_space<hbm>> -> memref<32xi32, #tpu.memory_space<hbm>>
      tpu.wait_dma2 semaphore(%run_scoped3A : memref<!tpu.dma_semaphore, #tpu.memory_space<semaphore_mem>>) src(%dma_wait3A_17 : memref<32xi32, #tpu.memory_space<hbm>>) dst(%arg5 : memref<32xi32, #tpu.memory_space<vmem>>)
      tpu.yield
    }) : () -> ()
    %dma_start3A = arith.constant 0 : i32
    %dma_start3A_3 = arith.constant 0 : i32
    %dma_start3A_4 = tpu.memref_slice %arg3[%dma_start3A, %dma_start3A_3] : memref<1000x1024xf32, #tpu.memory_space<hbm>> -> memref<1000x1024xf32, #tpu.memory_space<hbm>>
    tpu.enqueue_indirect_dma source(%dma_start3A_4 : memref<1000x1024xf32, #tpu.memory_space<hbm>>) target(%arg7 : memref<32x1024xf32, #tpu.memory_space<vmem>>) offsets(%arg5 : memref<32xi32, #tpu.memory_space<vmem>>) semaphore(%arg9 : memref<!tpu.dma_semaphore, #tpu.memory_space<semaphore_mem>>)
    %add3A_5 = arith.constant 32 : i32
    %add3A_6 = arith.addi %mul3A_2, %add3A_5 : i32
    "tpu.region"() ({
      %run_scoped3A = tpu.sem_alloc : memref<!tpu.dma_semaphore, #tpu.memory_space<semaphore_mem>>
      %dma_start3A_15 = tpu.memref_slice %arg2[%add3A_6] : memref<51200xi32, #tpu.memory_space<hbm>> -> memref<32xi32, #tpu.memory_space<hbm>>
      %dma_start3A_16 = tpu.memref_slice %arg2[%add3A_6] : memref<51200xi32, #tpu.memory_space<hbm>> -> memref<32xi32, #tpu.memory_space<hbm>>
      tpu.enqueue_dma source(%dma_start3A_16 : memref<32xi32, #tpu.memory_space<hbm>>) target(%arg6 : memref<32xi32, #tpu.memory_space<vmem>>) target_semaphore(%run_scoped3A : memref<!tpu.dma_semaphore, #tpu.memory_space<semaphore_mem>>)
      %dma_wait3A = tpu.memref_slice %arg2[%add3A_6] : memref<51200xi32, #tpu.memory_space<hbm>> -> memref<32xi32, #tpu.memory_space<hbm>>
      %dma_wait3A_17 = tpu.memref_slice %arg2[%add3A_6] : memref<51200xi32, #tpu.memory_space<hbm>> -> memref<32xi32, #tpu.memory_space<hbm>>
      tpu.wait_dma2 semaphore(%run_scoped3A : memref<!tpu.dma_semaphore, #tpu.memory_space<semaphore_mem>>) src(%dma_wait3A_17 : memref<32xi32, #tpu.memory_space<hbm>>) dst(%arg6 : memref<32xi32, #tpu.memory_space<vmem>>)
      tpu.yield
    }) : () -> ()
    %dma_start3A_7 = arith.constant 0 : i32
    %dma_start3A_8 = arith.constant 0 : i32
    %dma_start3A_9 = tpu.memref_slice %arg3[%dma_start3A_7, %dma_start3A_8] : memref<1000x1024xf32, #tpu.memory_space<hbm>> -> memref<1000x1024xf32, #tpu.memory_space<hbm>>
    tpu.enqueue_indirect_dma source(%dma_start3A_9 : memref<1000x1024xf32, #tpu.memory_space<hbm>>) target(%arg8 : memref<32x1024xf32, #tpu.memory_space<vmem>>) offsets(%arg6 : memref<32xi32, #tpu.memory_space<vmem>>) semaphore(%arg10 : memref<!tpu.dma_semaphore, #tpu.memory_space<semaphore_mem>>)
    %scan3A = arith.constant 0 : i32
    %scan3A_10 = arith.constant 0 : i32
    %scan3A_11 = arith.constant 25 : i32
    %scan3A_12 = arith.addi %scan3A_10, %scan3A_11 : i32
    %scan3A_13 = arith.constant 1 : i32
    scf.for %scan3A_15 = %scan3A_10 to %scan3A_12 step %scan3A_13  : i32 {
      %mul3A_16 = arith.constant 2 : i32
      %mul3A_17 = arith.muli %mul3A_16, %scan3A_15 : i32
      %mul3A_18 = arith.constant 2 : i32
      %mul3A_19 = arith.muli %mul3A_18, %scan3A_15 : i32
      %add3A_20 = arith.constant 1 : i32
      %add3A_21 = arith.addi %mul3A_19, %add3A_20 : i32
      %dma_wait3A = arith.constant 0 : i32
      %dma_wait3A_22 = arith.constant 0 : i32
      %dma_wait3A_23 = tpu.memref_slice %arg3[%dma_wait3A, %dma_wait3A_22] : memref<1000x1024xf32, #tpu.memory_space<hbm>> -> memref<1000x1024xf32, #tpu.memory_space<hbm>>
      tpu.wait_indirect_dma semaphore(%arg9 : memref<!tpu.dma_semaphore, #tpu.memory_space<semaphore_mem>>) src(%dma_wait3A_23 : memref<1000x1024xf32, #tpu.memory_space<hbm>>) dst(%arg7 : memref<32x1024xf32, #tpu.memory_space<vmem>>)
      %mul3A_24 = arith.constant 32 : i32
      %mul3A_25 = arith.muli %mul3A_17, %mul3A_24 : i32
      %add3A_26 = arith.addi %mul3A_2, %mul3A_25 : i32
      %dma_start3A_27 = arith.constant 0 : i32
      %dma_start3A_28 = tpu.memref_slice %arg4[%add3A_26, %dma_start3A_27] : memref<51200x1024xf32, #tpu.memory_space<hbm>> -> memref<32x1024xf32, #tpu.memory_space<hbm>>
      %dma_start3A_29 = arith.constant 0 : i32
      %dma_start3A_30 = tpu.memref_slice %arg4[%add3A_26, %dma_start3A_29] : memref<51200x1024xf32, #tpu.memory_space<hbm>> -> memref<32x1024xf32, #tpu.memory_space<hbm>>
      tpu.enqueue_dma source(%arg7 : memref<32x1024xf32, #tpu.memory_space<vmem>>) target(%dma_start3A_30 : memref<32x1024xf32, #tpu.memory_space<hbm>>) target_semaphore(%arg11 : memref<!tpu.dma_semaphore, #tpu.memory_space<semaphore_mem>>)
      %dma_wait3A_31 = arith.constant 0 : i32
      %dma_wait3A_32 = arith.constant 0 : i32
      %dma_wait3A_33 = tpu.memref_slice %arg3[%dma_wait3A_31, %dma_wait3A_32] : memref<1000x1024xf32, #tpu.memory_space<hbm>> -> memref<1000x1024xf32, #tpu.memory_space<hbm>>
      tpu.wait_indirect_dma semaphore(%arg10 : memref<!tpu.dma_semaphore, #tpu.memory_space<semaphore_mem>>) src(%dma_wait3A_33 : memref<1000x1024xf32, #tpu.memory_space<hbm>>) dst(%arg8 : memref<32x1024xf32, #tpu.memory_space<vmem>>)
      %mul3A_34 = arith.constant 32 : i32
      %mul3A_35 = arith.muli %add3A_21, %mul3A_34 : i32
      %add3A_36 = arith.addi %mul3A_2, %mul3A_35 : i32
      %dma_start3A_37 = arith.constant 0 : i32
      %dma_start3A_38 = tpu.memref_slice %arg4[%add3A_36, %dma_start3A_37] : memref<51200x1024xf32, #tpu.memory_space<hbm>> -> memref<32x1024xf32, #tpu.memory_space<hbm>>
      %dma_start3A_39 = arith.constant 0 : i32
      %dma_start3A_40 = tpu.memref_slice %arg4[%add3A_36, %dma_start3A_39] : memref<51200x1024xf32, #tpu.memory_space<hbm>> -> memref<32x1024xf32, #tpu.memory_space<hbm>>
      tpu.enqueue_dma source(%arg8 : memref<32x1024xf32, #tpu.memory_space<vmem>>) target(%dma_start3A_40 : memref<32x1024xf32, #tpu.memory_space<hbm>>) target_semaphore(%arg12 : memref<!tpu.dma_semaphore, #tpu.memory_space<semaphore_mem>>)
      %mul3A_41 = arith.constant 32 : i32
      %mul3A_42 = arith.muli %mul3A_17, %mul3A_41 : i32
      %add3A_43 = arith.addi %mul3A_2, %mul3A_42 : i32
      %dma_wait3A_44 = arith.constant 0 : i32
      %dma_wait3A_45 = tpu.memref_slice %arg4[%add3A_43, %dma_wait3A_44] : memref<51200x1024xf32, #tpu.memory_space<hbm>> -> memref<32x1024xf32, #tpu.memory_space<hbm>>
      %dma_wait3A_46 = arith.constant 0 : i32
      %dma_wait3A_47 = tpu.memref_slice %arg4[%add3A_43, %dma_wait3A_46] : memref<51200x1024xf32, #tpu.memory_space<hbm>> -> memref<32x1024xf32, #tpu.memory_space<hbm>>
      tpu.wait_dma2 semaphore(%arg11 : memref<!tpu.dma_semaphore, #tpu.memory_space<semaphore_mem>>) src(%arg7 : memref<32x1024xf32, #tpu.memory_space<vmem>>) dst(%dma_wait3A_47 : memref<32x1024xf32, #tpu.memory_space<hbm>>)
      %add3A_48 = arith.constant 2 : i32
      %add3A_49 = arith.addi %mul3A_17, %add3A_48 : i32
      %lt3A = arith.constant 50 : i32
      %lt3A_50 = arith.cmpi slt, %add3A_49, %lt3A : i32
      %convert_element_type3A = arith.extui %lt3A_50 : i1 to i32
      %cond3A = arith.constant 0 : i32
      %cond3A_51 = arith.cmpi ne, %convert_element_type3A, %cond3A : i32
      scf.if %cond3A_51 {
        %add3A_66 = arith.constant 2 : i32
        %add3A_67 = arith.addi %mul3A_17, %add3A_66 : i32
        %mul3A_68 = arith.constant 32 : i32
        %mul3A_69 = arith.muli %add3A_67, %mul3A_68 : i32
        %add3A_70 = arith.addi %mul3A_2, %mul3A_69 : i32
        "tpu.region"() ({
          %run_scoped3A = tpu.sem_alloc : memref<!tpu.dma_semaphore, #tpu.memory_space<semaphore_mem>>
          %dma_start3A_74 = tpu.memref_slice %arg2[%add3A_70] : memref<51200xi32, #tpu.memory_space<hbm>> -> memref<32xi32, #tpu.memory_space<hbm>>
          %dma_start3A_75 = tpu.memref_slice %arg2[%add3A_70] : memref<51200xi32, #tpu.memory_space<hbm>> -> memref<32xi32, #tpu.memory_space<hbm>>
          tpu.enqueue_dma source(%dma_start3A_75 : memref<32xi32, #tpu.memory_space<hbm>>) target(%arg5 : memref<32xi32, #tpu.memory_space<vmem>>) target_semaphore(%run_scoped3A : memref<!tpu.dma_semaphore, #tpu.memory_space<semaphore_mem>>)
          %dma_wait3A_76 = tpu.memref_slice %arg2[%add3A_70] : memref<51200xi32, #tpu.memory_space<hbm>> -> memref<32xi32, #tpu.memory_space<hbm>>
          %dma_wait3A_77 = tpu.memref_slice %arg2[%add3A_70] : memref<51200xi32, #tpu.memory_space<hbm>> -> memref<32xi32, #tpu.memory_space<hbm>>
          tpu.wait_dma2 semaphore(%run_scoped3A : memref<!tpu.dma_semaphore, #tpu.memory_space<semaphore_mem>>) src(%dma_wait3A_77 : memref<32xi32, #tpu.memory_space<hbm>>) dst(%arg5 : memref<32xi32, #tpu.memory_space<vmem>>)
          tpu.yield
        }) : () -> ()
        %dma_start3A_71 = arith.constant 0 : i32
        %dma_start3A_72 = arith.constant 0 : i32
        %dma_start3A_73 = tpu.memref_slice %arg3[%dma_start3A_71, %dma_start3A_72] : memref<1000x1024xf32, #tpu.memory_space<hbm>> -> memref<1000x1024xf32, #tpu.memory_space<hbm>>
        tpu.enqueue_indirect_dma source(%dma_start3A_73 : memref<1000x1024xf32, #tpu.memory_space<hbm>>) target(%arg7 : memref<32x1024xf32, #tpu.memory_space<vmem>>) offsets(%arg5 : memref<32xi32, #tpu.memory_space<vmem>>) semaphore(%arg9 : memref<!tpu.dma_semaphore, #tpu.memory_space<semaphore_mem>>)
      } else {
      }
      %mul3A_52 = arith.constant 32 : i32
      %mul3A_53 = arith.muli %add3A_21, %mul3A_52 : i32
      %add3A_54 = arith.addi %mul3A_2, %mul3A_53 : i32
      %dma_wait3A_55 = arith.constant 0 : i32
      %dma_wait3A_56 = tpu.memref_slice %arg4[%add3A_54, %dma_wait3A_55] : memref<51200x1024xf32, #tpu.memory_space<hbm>> -> memref<32x1024xf32, #tpu.memory_space<hbm>>
      %dma_wait3A_57 = arith.constant 0 : i32
      %dma_wait3A_58 = tpu.memref_slice %arg4[%add3A_54, %dma_wait3A_57] : memref<51200x1024xf32, #tpu.memory_space<hbm>> -> memref<32x1024xf32, #tpu.memory_space<hbm>>
      tpu.wait_dma2 semaphore(%arg12 : memref<!tpu.dma_semaphore, #tpu.memory_space<semaphore_mem>>) src(%arg8 : memref<32x1024xf32, #tpu.memory_space<vmem>>) dst(%dma_wait3A_58 : memref<32x1024xf32, #tpu.memory_space<hbm>>)
      %add3A_59 = arith.constant 2 : i32
      %add3A_60 = arith.addi %add3A_21, %add3A_59 : i32
      %lt3A_61 = arith.constant 50 : i32
      %lt3A_62 = arith.cmpi slt, %add3A_60, %lt3A_61 : i32
      %convert_element_type3A_63 = arith.extui %lt3A_62 : i1 to i32
      %cond3A_64 = arith.constant 0 : i32
      %cond3A_65 = arith.cmpi ne, %convert_element_type3A_63, %cond3A_64 : i32
      scf.if %cond3A_65 {
        %add3A_66 = arith.constant 2 : i32
        %add3A_67 = arith.addi %add3A_21, %add3A_66 : i32
        %mul3A_68 = arith.constant 32 : i32
        %mul3A_69 = arith.muli %add3A_67, %mul3A_68 : i32
        %add3A_70 = arith.addi %mul3A_2, %mul3A_69 : i32
        "tpu.region"() ({
          %run_scoped3A = tpu.sem_alloc : memref<!tpu.dma_semaphore, #tpu.memory_space<semaphore_mem>>
          %dma_start3A_74 = tpu.memref_slice %arg2[%add3A_70] : memref<51200xi32, #tpu.memory_space<hbm>> -> memref<32xi32, #tpu.memory_space<hbm>>
          %dma_start3A_75 = tpu.memref_slice %arg2[%add3A_70] : memref<51200xi32, #tpu.memory_space<hbm>> -> memref<32xi32, #tpu.memory_space<hbm>>
          tpu.enqueue_dma source(%dma_start3A_75 : memref<32xi32, #tpu.memory_space<hbm>>) target(%arg6 : memref<32xi32, #tpu.memory_space<vmem>>) target_semaphore(%run_scoped3A : memref<!tpu.dma_semaphore, #tpu.memory_space<semaphore_mem>>)
          %dma_wait3A_76 = tpu.memref_slice %arg2[%add3A_70] : memref<51200xi32, #tpu.memory_space<hbm>> -> memref<32xi32, #tpu.memory_space<hbm>>
          %dma_wait3A_77 = tpu.memref_slice %arg2[%add3A_70] : memref<51200xi32, #tpu.memory_space<hbm>> -> memref<32xi32, #tpu.memory_space<hbm>>
          tpu.wait_dma2 semaphore(%run_scoped3A : memref<!tpu.dma_semaphore, #tpu.memory_space<semaphore_mem>>) src(%dma_wait3A_77 : memref<32xi32, #tpu.memory_space<hbm>>) dst(%arg6 : memref<32xi32, #tpu.memory_space<vmem>>)
          tpu.yield
        }) : () -> ()
        %dma_start3A_71 = arith.constant 0 : i32
        %dma_start3A_72 = arith.constant 0 : i32
        %dma_start3A_73 = tpu.memref_slice %arg3[%dma_start3A_71, %dma_start3A_72] : memref<1000x1024xf32, #tpu.memory_space<hbm>> -> memref<1000x1024xf32, #tpu.memory_space<hbm>>
        tpu.enqueue_indirect_dma source(%dma_start3A_73 : memref<1000x1024xf32, #tpu.memory_space<hbm>>) target(%arg8 : memref<32x1024xf32, #tpu.memory_space<vmem>>) offsets(%arg6 : memref<32xi32, #tpu.memory_space<vmem>>) semaphore(%arg10 : memref<!tpu.dma_semaphore, #tpu.memory_space<semaphore_mem>>)
      } else {
      }
    }
    %scan3A_14 = arith.constant 25 : i32
    return
  }
}

#map = affine_map<(d0, d1) -> (0)>
#map1 = affine_map<(d0, d1) -> (0, 0)>
module attributes {stable_mosaic.version = 14 : i64} {
  func.func @_sc_loss_body(%arg0: i32, %arg1: i32, %arg2: memref<51200xi32, #tpu.memory_space<hbm>>, %arg3: memref<51200xi32, #tpu.memory_space<hbm>>, %arg4: memref<1000000xf32, #tpu.memory_space<hbm>>, %arg5: memref<1000x1xf32, #tpu.memory_space<hbm>>, %arg6: memref<32x16xf32, #tpu.memory_space<hbm>>, %arg7: memref<1600xi32, #tpu.memory_space<vmem>>, %arg8: memref<1600xi32, #tpu.memory_space<vmem>>, %arg9: memref<1600xi32, #tpu.memory_space<vmem>>, %arg10: memref<1600xf32, #tpu.memory_space<vmem>>, %arg11: memref<1000x1xf32, #tpu.memory_space<vmem>>, %arg12: memref<16xf32, #tpu.memory_space<vmem>>, %arg13: memref<!tpu.dma_semaphore, #tpu.memory_space<semaphore_mem>>) attributes {dimension_semantics = [#tpu.dimension_semantics<core_parallel>, #tpu.dimension_semantics<subcore_parallel>], iteration_bounds = array<i64: 2, 16>, scalar_prefetch = 0 : i64, scratch_operands = 7 : i64, tpu.core_type = #tpu.core_type<sc_vector_subcore>, window_params = [{transform_indices = #map}, {transform_indices = #map}, {transform_indices = #map}, {transform_indices = #map1}, {transform_indices = #map1}]} {
    %mul3A = arith.constant 2 : i32
    %mul3A_0 = arith.muli %arg1, %mul3A : i32
    %add3A = arith.addi %mul3A_0, %arg0 : i32
    %mul3A_1 = arith.constant 1600 : i32
    %mul3A_2 = arith.muli %add3A, %mul3A_1 : i32
    "tpu.region"() ({
      %run_scoped3A = tpu.sem_alloc : memref<!tpu.dma_semaphore, #tpu.memory_space<semaphore_mem>>
      tpu.enqueue_dma source(%arg5 : memref<1000x1xf32, #tpu.memory_space<hbm>>) target(%arg11 : memref<1000x1xf32, #tpu.memory_space<vmem>>) target_semaphore(%run_scoped3A : memref<!tpu.dma_semaphore, #tpu.memory_space<semaphore_mem>>)
      tpu.wait_dma2 semaphore(%run_scoped3A : memref<!tpu.dma_semaphore, #tpu.memory_space<semaphore_mem>>) src(%arg5 : memref<1000x1xf32, #tpu.memory_space<hbm>>) dst(%arg11 : memref<1000x1xf32, #tpu.memory_space<vmem>>)
      tpu.yield
    }) : () -> ()
    "tpu.region"() ({
      %run_scoped3A = tpu.sem_alloc : memref<!tpu.dma_semaphore, #tpu.memory_space<semaphore_mem>>
      %dma_start3A = tpu.memref_slice %arg2[%mul3A_2] : memref<51200xi32, #tpu.memory_space<hbm>> -> memref<1600xi32, #tpu.memory_space<hbm>>
      %dma_start3A_25 = tpu.memref_slice %arg2[%mul3A_2] : memref<51200xi32, #tpu.memory_space<hbm>> -> memref<1600xi32, #tpu.memory_space<hbm>>
      tpu.enqueue_dma source(%dma_start3A_25 : memref<1600xi32, #tpu.memory_space<hbm>>) target(%arg7 : memref<1600xi32, #tpu.memory_space<vmem>>) target_semaphore(%run_scoped3A : memref<!tpu.dma_semaphore, #tpu.memory_space<semaphore_mem>>)
      %dma_wait3A_26 = tpu.memref_slice %arg2[%mul3A_2] : memref<51200xi32, #tpu.memory_space<hbm>> -> memref<1600xi32, #tpu.memory_space<hbm>>
      %dma_wait3A_27 = tpu.memref_slice %arg2[%mul3A_2] : memref<51200xi32, #tpu.memory_space<hbm>> -> memref<1600xi32, #tpu.memory_space<hbm>>
      tpu.wait_dma2 semaphore(%run_scoped3A : memref<!tpu.dma_semaphore, #tpu.memory_space<semaphore_mem>>) src(%dma_wait3A_27 : memref<1600xi32, #tpu.memory_space<hbm>>) dst(%arg7 : memref<1600xi32, #tpu.memory_space<vmem>>)
      tpu.yield
    }) : () -> ()
    "tpu.region"() ({
      %run_scoped3A = tpu.sem_alloc : memref<!tpu.dma_semaphore, #tpu.memory_space<semaphore_mem>>
      %dma_start3A = tpu.memref_slice %arg3[%mul3A_2] : memref<51200xi32, #tpu.memory_space<hbm>> -> memref<1600xi32, #tpu.memory_space<hbm>>
      %dma_start3A_25 = tpu.memref_slice %arg3[%mul3A_2] : memref<51200xi32, #tpu.memory_space<hbm>> -> memref<1600xi32, #tpu.memory_space<hbm>>
      tpu.enqueue_dma source(%dma_start3A_25 : memref<1600xi32, #tpu.memory_space<hbm>>) target(%arg8 : memref<1600xi32, #tpu.memory_space<vmem>>) target_semaphore(%run_scoped3A : memref<!tpu.dma_semaphore, #tpu.memory_space<semaphore_mem>>)
      %dma_wait3A_26 = tpu.memref_slice %arg3[%mul3A_2] : memref<51200xi32, #tpu.memory_space<hbm>> -> memref<1600xi32, #tpu.memory_space<hbm>>
      %dma_wait3A_27 = tpu.memref_slice %arg3[%mul3A_2] : memref<51200xi32, #tpu.memory_space<hbm>> -> memref<1600xi32, #tpu.memory_space<hbm>>
      tpu.wait_dma2 semaphore(%run_scoped3A : memref<!tpu.dma_semaphore, #tpu.memory_space<semaphore_mem>>) src(%dma_wait3A_27 : memref<1600xi32, #tpu.memory_space<hbm>>) dst(%arg8 : memref<1600xi32, #tpu.memory_space<vmem>>)
      tpu.yield
    }) : () -> ()
    %scan3A = arith.constant 0 : i32
    %scan3A_3 = arith.constant 0 : i32
    %scan3A_4 = arith.constant 100 : i32
    %scan3A_5 = arith.addi %scan3A_3, %scan3A_4 : i32
    %scan3A_6 = arith.constant 1 : i32
    scf.for %scan3A_25 = %scan3A_3 to %scan3A_5 step %scan3A_6  : i32 {
      %mul3A_26 = arith.constant 16 : i32
      %mul3A_27 = arith.muli %scan3A_25, %mul3A_26 : i32
      %get3A = arith.index_cast %mul3A_27 : i32 to index
      %get3A_28 = tpu.vector_load %arg7[%get3A] {strides = array<i32>} : memref<1600xi32, #tpu.memory_space<vmem>>, vector<16xi32>,
      %mul3A_29 = arith.constant 1000 : i32
      %mul3A_30 = vector.broadcast %mul3A_29 : i32 to vector<16xi32>
      %mul3A_31 = arith.muli %get3A_28, %mul3A_30 : vector<16xi32>
      %get3A_32 = arith.index_cast %mul3A_27 : i32 to index
      %get3A_33 = tpu.vector_load %arg8[%get3A_32] {strides = array<i32>} : memref<1600xi32, #tpu.memory_space<vmem>>, vector<16xi32>,
      %add3A_34 = arith.addi %mul3A_31, %get3A_33 : vector<16xi32>
      %swap3A_35 = arith.index_cast %mul3A_27 : i32 to index
      %swap3A_36 = tpu.vector_load %arg9[%swap3A_35] {strides = array<i32>} : memref<1600xi32, #tpu.memory_space<vmem>>, vector<16xi32>,
      tpu.vector_store %arg9[%swap3A_35], %add3A_34 {strides = array<i32>} : memref<1600xi32, #tpu.memory_space<vmem>>, vector<16xi32>,
    }
    %scan3A_7 = arith.constant 100 : i32
    %scan3A_8 = arith.constant 0 : i32
    %scan3A_9 = arith.constant 0 : i32
    %scan3A_10 = arith.constant 20 : i32
    %scan3A_11 = arith.addi %scan3A_9, %scan3A_10 : i32
    %scan3A_12 = arith.constant 1 : i32
    scf.for %scan3A_25 = %scan3A_9 to %scan3A_11 step %scan3A_12  : i32 {
      %mul3A_26 = arith.constant 80 : i32
      %mul3A_27 = arith.muli %scan3A_25, %mul3A_26 : i32
      %dma_start3A = tpu.memref_slice %arg10[%mul3A_27] : memref<1600xf32, #tpu.memory_space<vmem>> -> memref<80xf32, #tpu.memory_space<vmem>>
      %dma_start3A_28 = tpu.memref_slice %arg9[%mul3A_27] : memref<1600xi32, #tpu.memory_space<vmem>> -> memref<80xi32, #tpu.memory_space<vmem>>
      %dma_start3A_29 = arith.constant 0 : i32
      %dma_start3A_30 = tpu.memref_slice %arg4[%dma_start3A_29] : memref<1000000xf32, #tpu.memory_space<hbm>> -> memref<1000000xf32, #tpu.memory_space<hbm>>
      tpu.enqueue_indirect_dma source(%dma_start3A_30 : memref<1000000xf32, #tpu.memory_space<hbm>>) target(%dma_start3A : memref<80xf32, #tpu.memory_space<vmem>>) offsets(%dma_start3A_28 : memref<80xi32, #tpu.memory_space<vmem>>) semaphore(%arg13 : memref<!tpu.dma_semaphore, #tpu.memory_space<semaphore_mem>>)
    }
    %scan3A_13 = arith.constant 20 : i32
    %dma_wait3A = arith.constant 0 : i32
    %dma_wait3A_14 = tpu.memref_slice %arg4[%dma_wait3A] : memref<1000000xf32, #tpu.memory_space<hbm>> -> memref<1000000xf32, #tpu.memory_space<hbm>>
    tpu.wait_indirect_dma semaphore(%arg13 : memref<!tpu.dma_semaphore, #tpu.memory_space<semaphore_mem>>) src(%dma_wait3A_14 : memref<1000000xf32, #tpu.memory_space<hbm>>) dst(%arg10 : memref<1600xf32, #tpu.memory_space<vmem>>)
    %broadcast_in_dim3A = arith.constant 0 : i32
    %broadcast_in_dim3A_15 = vector.broadcast %broadcast_in_dim3A : i32 to vector<16xi32>
    %broadcast_in_dim3A_16 = arith.constant 0.000000e+00 : f32
    %broadcast_in_dim3A_17 = vector.broadcast %broadcast_in_dim3A_16 : f32 to vector<16xf32>
    %scan3A_18 = arith.constant 0 : i32
    %scan3A_19 = arith.constant 100 : i32
    %scan3A_20 = arith.addi %scan3A_18, %scan3A_19 : i32
    %scan3A_21 = arith.constant 1 : i32
    %scan3A_22 = scf.for %scan3A_25 = %scan3A_18 to %scan3A_20 step %scan3A_21 iter_args(%scan3A_26 = %broadcast_in_dim3A_17) -> (vector<16xf32>)  : i32 {
      %mul3A_27 = arith.constant 16 : i32
      %mul3A_28 = arith.muli %scan3A_25, %mul3A_27 : i32
      %get3A = arith.index_cast %mul3A_28 : i32 to index
      %get3A_29 = tpu.vector_load %arg7[%get3A] {strides = array<i32>} : memref<1600xi32, #tpu.memory_space<vmem>>, vector<16xi32>,
      %gather3A = tpu.vector_load_idx %arg11[%get3A_29, %broadcast_in_dim3A_15] : memref<1000x1xf32, #tpu.memory_space<vmem>>[vector<16xi32>, vector<16xi32>], vector<16xf32>,
      %get3A_30 = arith.index_cast %mul3A_28 : i32 to index
      %get3A_31 = tpu.vector_load %arg10[%get3A_30] {strides = array<i32>} : memref<1600xf32, #tpu.memory_space<vmem>>, vector<16xf32>,
      %sub3A = arith.subf %gather3A, %get3A_31 : vector<16xf32>
      %add3A_32 = arith.addf %scan3A_26, %sub3A : vector<16xf32>
      scf.yield %add3A_32 : vector<16xf32>
    }
    %scan3A_23 = arith.constant 100 : i32
    %swap3A = arith.constant 0 : index
    %swap3A_24 = tpu.vector_load %arg12[%swap3A] {strides = array<i32>} : memref<16xf32, #tpu.memory_space<vmem>>, vector<16xf32>,
    tpu.vector_store %arg12[%swap3A], %scan3A_22 {strides = array<i32>} : memref<16xf32, #tpu.memory_space<vmem>>, vector<16xf32>,
    "tpu.region"() ({
      %run_scoped3A = tpu.sem_alloc : memref<!tpu.dma_semaphore, #tpu.memory_space<semaphore_mem>>
      %dma_start3A = arith.constant 0 : i32
      %dma_start3A_25 = tpu.memref_slice %arg6[%add3A, %dma_start3A] : memref<32x16xf32, #tpu.memory_space<hbm>> -> memref<1x16xf32, #tpu.memory_space<hbm>>
      %dma_start3A_26 = tpu.memref_squeeze %dma_start3A_25 : memref<1x16xf32, #tpu.memory_space<hbm>> -> memref<16xf32, #tpu.memory_space<hbm>>
      %dma_start3A_27 = arith.constant 0 : i32
      %dma_start3A_28 = tpu.memref_slice %arg6[%add3A, %dma_start3A_27] : memref<32x16xf32, #tpu.memory_space<hbm>> -> memref<1x16xf32, #tpu.memory_space<hbm>>
      %dma_start3A_29 = tpu.memref_squeeze %dma_start3A_28 : memref<1x16xf32, #tpu.memory_space<hbm>> -> memref<16xf32, #tpu.memory_space<hbm>>
      tpu.enqueue_dma source(%arg12 : memref<16xf32, #tpu.memory_space<vmem>>) target(%dma_start3A_29 : memref<16xf32, #tpu.memory_space<hbm>>) target_semaphore(%run_scoped3A : memref<!tpu.dma_semaphore, #tpu.memory_space<semaphore_mem>>)
      %dma_wait3A_30 = arith.constant 0 : i32
      %dma_wait3A_31 = tpu.memref_slice %arg6[%add3A, %dma_wait3A_30] : memref<32x16xf32, #tpu.memory_space<hbm>> -> memref<1x16xf32, #tpu.memory_space<hbm>>
      %dma_wait3A_32 = tpu.memref_squeeze %dma_wait3A_31 : memref<1x16xf32, #tpu.memory_space<hbm>> -> memref<16xf32, #tpu.memory_space<hbm>>
      %dma_wait3A_33 = arith.constant 0 : i32
      %dma_wait3A_34 = tpu.memref_slice %arg6[%add3A, %dma_wait3A_33] : memref<32x16xf32, #tpu.memory_space<hbm>> -> memref<1x16xf32, #tpu.memory_space<hbm>>
      %dma_wait3A_35 = tpu.memref_squeeze %dma_wait3A_34 : memref<1x16xf32, #tpu.memory_space<hbm>> -> memref<16xf32, #tpu.memory_space<hbm>>
      tpu.wait_dma2 semaphore(%run_scoped3A : memref<!tpu.dma_semaphore, #tpu.memory_space<semaphore_mem>>) src(%arg12 : memref<16xf32, #tpu.memory_space<vmem>>) dst(%dma_wait3A_35 : memref<16xf32, #tpu.memory_space<hbm>>)
      tpu.yield
    }) : () -> ()
    return
  }
}

module attributes {stable_mosaic.version = 14 : i64} {
  func.func @_lse_body(%arg0: memref<1000x1000xf32, #tpu.memory_space<vmem>>, %arg1: memref<1000x1xf32, #tpu.memory_space<vmem>>) attributes {dimension_semantics = [], scalar_prefetch = 0 : i64, scratch_operands = 0 : i64, tpu.core_type = #tpu.core_type<tc>} {
    %get3A = arith.constant 0 : index
    %get3A_0 = arith.constant 0 : index
    %get3A_1 = vector.load %arg0[%get3A, %get3A_0] : memref<1000x1000xf32, #tpu.memory_space<vmem>>, vector<1000x1000xf32>
    %reduce_max3A = arith.constant dense<0xFF800000> : vector<1000xf32>
    %reduce_max3A_2 = vector.multi_reduction <maximumf>, %get3A_1, %reduce_max3A [1] : vector<1000x1000xf32> to vector<1000xf32>
    %broadcast_in_dim3A = vector.shape_cast %reduce_max3A_2 : vector<1000xf32> to vector<1000x1xf32>
    %sub3A = vector.broadcast %broadcast_in_dim3A : vector<1000x1xf32> to vector<1000x1000xf32>
    %sub3A_3 = arith.subf %get3A_1, %sub3A : vector<1000x1000xf32>
    %exp3A = math.exp %sub3A_3 : vector<1000x1000xf32>
    %reduce_sum3A = arith.constant dense<0.000000e+00> : vector<1000xf32>
    %reduce_sum3A_4 = vector.multi_reduction <add>, %exp3A, %reduce_sum3A [1] : vector<1000x1000xf32> to vector<1000xf32>
    %broadcast_in_dim3A_5 = vector.shape_cast %reduce_sum3A_4 : vector<1000xf32> to vector<1000x1xf32>
    %log3A = math.log %broadcast_in_dim3A_5 : vector<1000x1xf32>
    %add3A = arith.addf %broadcast_in_dim3A, %log3A : vector<1000x1xf32>
    %swap3A = arith.constant 0 : index
    %swap3A_6 = arith.constant 0 : index
    %swap3A_7 = vector.load %arg1[%swap3A, %swap3A_6] : memref<1000x1xf32, #tpu.memory_space<vmem>>, vector<1000x1xf32>
    tpu.vector_store %arg1[%swap3A, %swap3A_6], %add3A {strides = array<i32>} : memref<1000x1xf32, #tpu.memory_space<vmem>>, vector<1000x1xf32>,
    return
  }
}

module attributes {stable_mosaic.version = 14 : i64} {
  func.func @_reduce_body(%arg0: memref<32x16xf32, #tpu.memory_space<vmem>>, %arg1: memref<1x1xf32, #tpu.memory_space<vmem>>) attributes {dimension_semantics = [], scalar_prefetch = 0 : i64, scratch_operands = 0 : i64, tpu.core_type = #tpu.core_type<tc>} {
    %get3A = arith.constant 0 : index
    %get3A_0 = arith.constant 0 : index
    %get3A_1 = vector.load %arg0[%get3A, %get3A_0] : memref<32x16xf32, #tpu.memory_space<vmem>>, vector<32x16xf32>
    %reduce_sum3A = vector.shape_cast %get3A_1 : vector<32x16xf32> to vector<1x32x16xf32>
    %reduce_sum3A_2 = arith.constant dense<0.000000e+00> : vector<1xf32>
    %reduce_sum3A_3 = vector.multi_reduction <add>, %reduce_sum3A, %reduce_sum3A_2 [1, 2] : vector<1x32x16xf32> to vector<1xf32>
    %reduce_sum3A_4 = vector.shape_cast %reduce_sum3A_3 : vector<1xf32> to vector<1x1x1xf32>
    %reduce_sum3A_5 = vector.extract %reduce_sum3A_4[0, 0, 0] : f32 from vector<1x1x1xf32>
    %mul3A = arith.constant 1.95312496E-5 : f32
    %mul3A_6 = arith.mulf %reduce_sum3A_5, %mul3A : f32
    %reshape3A = vector.broadcast %mul3A_6 : f32 to vector<1x1xf32>
    %swap3A = arith.constant 0 : index
    %swap3A_7 = arith.constant 0 : index
    %swap3A_8 = vector.load %arg1[%swap3A, %swap3A_7] : memref<1x1xf32, #tpu.memory_space<vmem>>, vector<1x1xf32>
    tpu.vector_store %arg1[%swap3A, %swap3A_7], %reshape3A {strides = array<i32>} : memref<1x1xf32, #tpu.memory_space<vmem>>, vector<1x1xf32>,
    return
  }
}

</mosaic_0001>

<sc_bundles>
// kernel: kernel.6.cloned.1.call-start
scs
__scs_entry_jumppad:
0x0: {  	(pc) =	sbr.rel $0x88, $3  }
0x1: {  	(tag) =	ssettag $0x0;
	lr =	simm.s32 $0x1  }
0x2: {  	[smem:$0x3F9E] =	sst lr;
	_ =	strace $0xD0000000  }
0x3: {  	_ = 	snop  }
0x4: {  	_ = 	snop  }
0x5: {  	_ = 	snop  }
0x6: {  	_ = 	snop  }
0x7: {  	_ = 	snop  }
__scs_overlays_trampoline_lowered:
0x8: {  	[smem:$0x3FAD] =	sst s0  }
0x9: {  	[smem:$0x3FAE] =	sst s1  }
0xa: {  	[smem:$0x3FAF] =	sst s2  }
0xb: {  	[smem:$0x3FB0] =	sst s3  }
0xc: {  	[smem:$0x3FB1] =	sst s4  }
0xd: {  	[smem:$0x3FB2] =	sst s5  }
0xe: {  	[smem:$0x3FB3] =	sst s6  }
0xf: {  	[smem:$0x3FB4] =	sst s7  }
0x10: {  	[smem:$0x3FB5] =	sst s8  }
0x11: {  	[smem:$0x3FB6] =	sst s9;
	s0 =	simm.s32 @!p0 $0x0  }
0x12: {  	s1 =	sld [smem:$0x3F9C];
	s0 =	simm.s32 @p0 $0x1  }
0x13: {  	[smem:$0x3FB7] =	sst s0;
	s0 =	simm.s32 @!p1 $0x0  }
0x14: {  	s2 =	sld [smem:$0x3F9B];
	s0 =	simm.s32 @p1 $0x1  }
0x15: {  	[smem:$0x3FB8] =	sst s0;
	s0 =	simm.s32 @!p2 $0x0  }
0x16: {  	s3 =	sld [smem:$0x3FDB];
	s0 =	simm.s32 @p2 $0x1  }
0x17: {  	s4 =	simm.s32 $0x1BF5;
	[smem:$0x3FBA] =	sst s0  }
0x18: {  	s0 =	sld [smem:$0x3F9D];
	_ =	swait.ge [sflag:s4], $0x0  }
0x19: {  	s7 =	sld [smem:$0x3F9E]  }
0x1a: {  	s8 =	sadd.s32 $0xFFFFE003, lr  }
0x1b: {  	s9 =	sadd.s32 $0xFFFFFEF7, lr;
	s5 =	simm.s32 $0xFFFFFFFF;
	p2 =	slt.u32 s8, $0xFFFFF086  }
0x1c: {  	p1 =	slt.u32 s9, $0xF7A;
	s5 =	simm.s32 @!p2 $0x0  }
0x1d: {  	s5 =	simm.s32 @p1 $0x1;
	p0 =	seq.s32 s7, s2  }
0x1e: {  	s7 =	smul.u32 @!p0 $0xF7A, s2;
	p2 =	seq.s32 @!p0 s5, $0x0  }
0x1f: {  	s9 =	smul.u32 $0xF7A, s1;
	s8 =	simm.s32 @!p0 $0x1BF5;
	p2 =	por !p2, p0  }
0x20: {  	[sflag:s8] =	ssyncset.s32 @!p0 $0xFFFFF086;
	s6 =	sadd.s32 @!p0 s3, s7;
	s7 =	simm.s32 @!p0 $0x108  }
0x21: {  	s3 =	sadd.s32 s3, s9;
	s6 =	sadd.s32 @!p0 $0x88, s6;
	s7 =	simm.s32 @p2 $0x1082  }
0x22: {  	[simem:s7], [sflag:s8] =	dma.local @!p0 [hbm:s6], $0xF7A  }
0x23: {  	s9 =	sor.u32 $0xD0000000, s2;
	s6 =	simm.s32 $0x108;
	_ =	swait.ge @!p0 [sflag:s8], $0x0  }
0x24: {  	s3 =	sadd.s32 $0x88, s3;
	s6 =	simm.s32 @!p1 $0x1082;
	[sflag:s4] =	ssyncset.s32 $0xFFFFF086  }
0x25: {  	[simem:s6], [sflag:s4] =	dma.local [hbm:s3], $0xF7A  }
0x26: {  	[smem:$0x3F9E] =	sst s1;
	(tag) =	ssettag s2;
	_ =	strace s9  }
0x27: {  	s1 =	sld [smem:$0x3FAE]  }
0x28: {  	s2 =	sld [smem:$0x3FAF]  }
0x29: {  	s4 =	sld [smem:$0x3FB1]  }
0x2a: {  	p0 =	seq.s32 s5, $0x0;
	s5 =	sld [smem:$0x3FB2]  }
0x2b: {  	s6 =	sld [smem:$0x3FB3]  }
0x2c: {  	s7 =	sld [smem:$0x3FB4]  }
0x2d: {  	s3 =	simm.s32 $0x108;
	s8 =	sld [smem:$0x3FB5]  }
0x2e: {  	s3 =	simm.s32 @!p0 $0x1082;
	s9 =	sld [smem:$0x3FB6]  }
0x2f: {  	lr =	sadd.s32 s0, s3;
	s0 =	sld [smem:$0x3FAD]  }
0x30: {  	s3 =	sld [smem:$0x3FB0]  }
0x31: {  	[smem:$0x3FB9] =	sst s10  }
0x32: {  	s10 =	sld [smem:$0x3FB7];
	_ =	sdelay $0x3  }
0x33: {  	p0 =	seq.s32 s10, $0x1;
	s10 =	sld [smem:$0x3FB9];
	_ =	sdelay $0x3  }
0x34: {  	[smem:$0x3FB9] =	sst s10  }
0x35: {  	s10 =	sld [smem:$0x3FB8];
	_ =	sdelay $0x3  }
0x36: {  	p1 =	seq.s32 s10, $0x1;
	s10 =	sld [smem:$0x3FB9];
	_ =	sdelay $0x3  }
0x37: {  	[smem:$0x3FB9] =	sst s10  }
0x38: {  	s10 =	sld [smem:$0x3FBA]  }
0x39: {  	_ = 	snop;
	(pc) =	sbr.ind lr, $3  }
0x3a: {  	_ = 	snop  }
0x3b: {  	_ = 	snop  }
0x3c: {  	p2 =	seq.s32 s10, $0x1;
	s10 =	sld [smem:$0x3FB9]  }
0x3d: {  	_ =	shalt  }
0x3e: {  	_ =	shalt  }
0x3f: {  	_ =	shalt  }
0x40: {  	_ =	shalt  }
0x41: {  	_ =	shalt  }
0x42: {  	_ =	shalt  }
0x43: {  	_ =	shalt  }
0x44: {  	_ =	shalt  }
0x45: {  	_ =	shalt  }
0x46: {  	_ =	shalt  }
0x47: {  	_ =	shalt  }
0x48: {  	_ =	shalt  }
0x49: {  	_ =	shalt  }
0x4a: {  	_ =	shalt  }
0x4b: {  	_ =	shalt  }
0x4c: {  	_ =	shalt  }
0x4d: {  	_ =	shalt  }
0x4e: {  	_ =	shalt  }
0x4f: {  	_ =	shalt  }
0x50: {  	_ =	shalt  }
0x51: {  	_ =	shalt  }
0x52: {  	_ =	shalt  }
0x53: {  	_ =	shalt  }
0x54: {  	_ =	shalt  }
0x55: {  	_ =	shalt  }
0x56: {  	_ =	shalt  }
0x57: {  	_ =	shalt  }
0x58: {  	_ =	shalt  }
0x59: {  	_ =	shalt  }
0x5a: {  	_ =	shalt  }
0x5b: {  	_ =	shalt  }
0x5c: {  	_ =	shalt  }
0x5d: {  	_ =	shalt  }
0x5e: {  	_ =	shalt  }
0x5f: {  	_ =	shalt  }
0x60: {  	_ =	shalt  }
0x61: {  	_ =	shalt  }
0x62: {  	_ =	shalt  }
0x63: {  	_ =	shalt  }
0x64: {  	_ =	shalt  }
0x65: {  	_ =	shalt  }
0x66: {  	_ =	shalt  }
0x67: {  	_ =	shalt  }
0x68: {  	_ =	shalt  }
0x69: {  	_ =	shalt  }
0x6a: {  	_ =	shalt  }
0x6b: {  	_ =	shalt  }
0x6c: {  	_ =	shalt  }
0x6d: {  	_ =	shalt  }
0x6e: {  	_ =	shalt  }
0x6f: {  	_ =	shalt  }
0x70: {  	_ =	shalt  }
0x71: {  	_ =	shalt  }
0x72: {  	_ =	shalt  }
0x73: {  	_ =	shalt  }
0x74: {  	_ =	shalt  }
0x75: {  	_ =	shalt  }
0x76: {  	_ =	shalt  }
0x77: {  	_ =	shalt  }
0x78: {  	_ =	shalt  }
0x79: {  	_ =	shalt  }
0x7a: {  	_ =	shalt  }
0x7b: {  	_ =	shalt  }
0x7c: {  	_ =	shalt  }
0x7d: {  	_ =	shalt  }
0x7e: {  	_ =	shalt  }
0x7f: {  	_ =	shalt  }
0x80: {  	_ =	shalt  }
0x81: {  	_ =	shalt  }
0x82: {  	_ =	shalt  }
0x83: {  	_ =	shalt  }
0x84: {  	_ =	shalt  }
0x85: {  	_ =	shalt  }
0x86: {  	_ =	shalt  }
0x87: {  	_ =	shalt  }
.Lfunc_end0:
.L_simem_size_0:
called_computation.1_lowered:
.L_overlay_start_0:
0x88: {  	s2 =	sld [smem:$0x3FD9]  }
0x89: {  	s3 =	sld [smem:$0x3FFE];
	_ =	sdelay $0x1  }
0x8a: {  	s1 =	srdreg.scid  }
0x8b: {  	s0 =	sand.u32 $0x1, s1  }
0x8c: {  	s17 =	sshll.u32 s0, $0xA;
	s2 =	sadd.s32 s3, s2  }
0x8d: {  	s2 =	sadd.s32 s2, s17  }
0x8e: {  	[smem:$0x3FC5] =	sst s2  }
0x8f: {  	_ = 	snop  }
0x90: {  	(tm) =	ssettm $0x1  }
0x91: {  	s18 =	sld [smem:$0x3FFB];
	_ =	sdelay $0x3  }
0x92: {  	_ =	strace s18  }
0x93: {  	s2 =	sld [smem:$0x3FFC];
	_ =	sdelay $0x3  }
0x94: {  	_ =	strace s2  }
0x95: {  	s2 =	sld [smem:$0x3FFD];
	_ =	sdelay $0x3  }
0x96: {  	_ =	strace s2  }
0x97: {  	_ =	strace $0x8FFFFFFF  }
0x98: {  	s19 =	sld [smem:$0x3FDB];
	_ =	sdelay $0x1  }
0x99: {  	s20 =	simm.s32 $_scs_section_size  }
0x9a: {  	s4 =	simm.s32 $_size__tile_overlayer_lowered;
	s5 =	simm.s32 $_tile_overlayer_lowered  }
0x9b: {  	s6 =	simm.s32 $0x1BFF;
	s21 =	sshll.u32 s5, $0x1;
	s3 =	sadd.s32 s20, s19  }
0x9c: {  	s22 =	simm.s32 $0x0;
	s4 =	sshll.u32 s4, $0x1;
	s5 =	sadd.s32 s21, s3  }
0x9d: {  	[timem:s22], [sflag:s6] =	dma.local [hbm:s5], s4  }
0x9e: {  	_ =	swait.ge [sflag:s6], s4  }
0x9f: {  	s4 =	ssub.s32 $0x0, s4;
	[sflag:s6] =	ssyncset.done $0x0  }
0xa0: {  	[sflag:s6] =	ssyncadd.s32 s4;
	_ =	sdelay $0x1  }
0xa1: {  	s23 =	simm.s32 $0x1B8B  }
0xa2: {  	_ =	swait.ge [sflag:s23], $0x1  }
0xa3: {  	[sflag:s23] =	ssyncset.done $0x0  }
0xa4: {  	[sflag:s23] =	ssyncadd.s32 $0xFFFFFFFF  }
0xa5: {  	s4 =	sld [smem:$0x0]  }
0xa6: {  	s5 =	sand.u32 $0xFFFFFFFE, s1  }
0xa7: {  	p0 =	sne.s32 s1, s5  }
0xa8: {  	s5 =	sshll.u32 @p0 s5, $0xE  }
0xa9: {  	s5 =	sadd.s32 @p0 $0x11B8D, s5;
	s6 =	sshll.u32 @p0 s4, $0x11  }
0xaa: {  	s5 =	sor.u32 @p0 s6, s5  }
0xab: {  	[sflag:s5] =	ssyncadd.remote.s32 @p0 $0x1;
	_ =	sdelay $0x1  }
0xac: {  	s5 =	simm.s32 @p0 $0x1B8D  }
0xad: {  	_ =	swait.eq @p0 [sflag:s5], $0x1  }
0xae: {  	[sflag:s5] =	ssyncadd.s32 @p0 $0xFFFFFFFF  }
0xaf: {  	s6 =	sshll.u32 @!p0 s1, $0xE  }
0xb0: {  	s6 =	sor.u32 @!p0 $0x4000, s6;
	s5 =	simm.s32 @!p0 $0x1B8D  }
0xb1: {  	s4 =	sshll.u32 @!p0 s4, $0x11;
	s6 =	sadd.s32 @!p0 $0x11B8D, s6;
	_ =	swait.eq @!p0 [sflag:s5], $0x1  }
0xb2: {  	s4 =	sor.u32 @!p0 s4, s6;
	[sflag:s5] =	ssyncadd.s32 @!p0 $0xFFFFFFFF  }
0xb3: {  	s25 =	simm.s32 $0x1B8E;
	s24 =	sld [smem:$0x3FFE];
	[sflag:s4] =	ssyncadd.remote.s32 @!p0 $0x1  }
0xb4: {  	s26 =	simm.s32 $execute0_lowered;
	[smem:$0x3FD2] =	sst s25  }
0xb5: {  	s5 =	sshll.u32 s26, $0x1;
	_ =	strace $0x80000049;
	[dreg:$0x1] =	wrdreg $0xFFFFFFFF  }
0xb6: {  	s28 =	simm.s32 $_size_execute0_lowered;
	s3 =	sadd.s32 s3, s5;
	[dreg:$0x0] =	wrdreg $0x0  }
0xb7: {  	s5 =	sshll.u32 s28, $0x1;
	[dreg:$0x2] =	wrdreg s3  }
0xb8: {  	[dreg:$0x3] =	wrdreg s5  }
0xb9: {  	[dreg:$0x4] =	wrdreg $0xC0  }
0xba: {  	_ =	task [dreg:s22], $0x5FFFF  }
0xbb: {  	[dreg:$0x1] =	wrdreg $0xFFFFFFFF  }
0xbc: {  	[dreg:$0x0] =	wrdreg $0x60  }
0xbd: {  	[dreg:$0x2] =	wrdreg s24  }
0xbe: {  	[dreg:$0x3] =	wrdreg $0x9  }
0xbf: {  	_ =	task.clear_ibuf [dreg:s22], $0x4FFFF;
	_ =	strace $0x90000049  }
0xc0: {  	s29 =	simm.s32 $0x9;
	_ =	strace $0x8000004B  }
0xc1: {  	_ =	swait.ge [sflag:s29], $0x1  }
0xc2: {  	[sflag:s29] =	ssyncadd.s32 $0xFFFFFFFF  }
0xc3: {  	_ =	strace $0x9000004B  }
0xc4: {  	_ =	sfence  }
0xc5: {  	s30 =	sld [smem:$0x0];
	_ =	sdelay $0x2  }
0xc6: {  	s31 =	sshll.u32 s1, $0xD;
	s1 =	sshrl.u32 s1, $0x2  }
0xc7: {  	s4 =	sand.u32 $0x4000, s31;
	s1 =	sadd.s32 s1, s30  }
0xc8: {  	s0 =	sor.u32 s4, s0;
	s1 =	sshll.u32 s1, $0x11  }
0xc9: {  	s0 =	sor.u32 s1, s0  }
0xca: {  	s0 =	sadd.s32 $0x8F2B, s0  }
0xcb: {  	[sflag:s0] =	ssyncadd.remote.s32 $0x1  }
0xcc: {  	_ =	sfence.sel $0xFFFF  }
0xcd: {  	[dreg:$0x0] =	wrdreg $0xFFFFFFFF;
	(pc) =	sbr.abs _section_cstart, $3  }
0xce: {  	[dreg:$0x1] =	wrdreg $0xFFFFFFFF  }
0xcf: {  	_ =	task.clear_ibuf [dreg:s22], $0x2FFFF;
	_ =	strace $0x9FFFFFFF  }
0xd0: {  	(tm) =	ssettm $0x7FFFFFFF  }
0xd1: {  	_ =	shalt  }
tec
execute0_lowered:
.L_overlay_start_1:
0x0: {  	(tag) =	ssettag $0x1  }
0x1: {  	s0 =	srdreg.scid  }
0x2: {  	s1 =	stileid.u32;
	s5 =	rddreg [dreg:$0x0]  }
0x3: {  	s2 =	simm.s32 $0x0;
	s9 =	simm.s32 $0x1900;
	s10 =	simm.s32 $0x2  }
0x4: {  	s12 =	simm.s32 $0x50;
	s18 =	simm.s32 $0x1090;
	s19 =	simm.s32 $0x16D0  }
0x5: {  	s20 =	simm.s32 $0x10E0;
	s21 =	simm.s32 $0x1720;
	s22 =	simm.s32 $0x1130  }
0x6: {  	s23 =	simm.s32 $0x1770;
	s24 =	simm.s32 $0x1180;
	s25 =	simm.s32 $0x17C0  }
0x7: {  	s26 =	simm.s32 $0x11D0;
	s28 =	simm.s32 $0x1810;
	s29 =	simm.s32 $0x1220  }
0x8: {  	s30 =	simm.s32 $0x1860;
	s31 =	simm.s32 $0x1270;
	s11 =	simm.s32 $0x3840  }
0x9: {  	s13 =	simm.s32 $0x0;
	s0 =	sand.u32 $0x1, s0;
	s1 =	sshll.u32 s1, $0x1  }
0xa: {  	[smem:$0x7FF] =	sst s2;
	s4 =	sadd.s32 $0x661400, s5;
	s1 =	sor.u32 s0, s1  }
0xb: {  	s0 =	ssub.s32 $0x2, s0;
	s3 =	smul.u32 $0xC8, s1;
	s1 =	sshll.u32 s1, $0x1  }
0xc: {  	_ =	strace $0x8000004A;
	s7 =	sshrl.u32 s0, $0x1;
	s1 =	sadd.s32 s1, s5  }
0xd: {  	s0 =	ssub.s32 s0, s7;
	s6 =	sadd.s32 s3, s5;
	s3 =	sadd.s32 $0x642A00, s5  }
0xe: {  	s7 =	sadd.s32 $0x663200, s1;
	s8 =	smax.u32 s0, $0x1;
	s1 =	simm.s32 $0x18B0  }
0xf: {  	s0 =	simm.s32 $0x1;
	s5 =	sadd.s32 $0x1000, s6;
	s6 =	sadd.s32 $0x661800, s6  }
.LBB2_1:
0x10: {  	[tilespmem:s9], [sflag:$0x2] =	stream.linear.gather [hbm4b:s4+s2], $0x1F40, $0x38;
	[tilespmem:$0x3850] =	vst v63  }
0x11: {  	_ =	swait.ge [sflag:s10], $0x1F40  }
0x12: {  	[sflag:s10] =	ssyncset.done $0x0  }
0x13: {  	[sflag:s10] =	ssyncadd.s32 $0xFFFFE0C0  }
0x14: {  	[tilespmem:s2], [sflag:$0x2] =	stream.linear.gather [hbm4b:s5+s2], $0x640, $0x38;
	[tilespmem:$0x3850] =	vst v63  }
0x15: {  	_ =	swait.ge [sflag:s10], $0x640  }
0x16: {  	[sflag:s10] =	ssyncset.done $0x0  }
0x17: {  	s14 =	simm.s32 $0x640;
	[sflag:s10] =	ssyncadd.s32 $0xFFFFF9C0  }
0x18: {  	[tilespmem:s14], [sflag:$0x2] =	stream.linear.gather [hbm4b:s6+s2], $0x640, $0x38;
	[tilespmem:$0x3850] =	vst v63  }
0x19: {  	_ =	swait.ge [sflag:s10], $0x640  }
0x1a: {  	[sflag:s10] =	ssyncset.done $0x0  }
0x1b: {  	s14 =	simm.s32 $0x0;
	[sflag:s10] =	ssyncadd.s32 $0xFFFFF9C0  }
0x1c: {  	v0 =	vld [tilespmem:s14+$0x0]  }
0x1d: {  	s15 =	simm.s32 $0x40;
	v1 =	vld [tilespmem:s14+$0x640]  }
.LBB2_2:
0x1e: {  	_ = 	snop  }
0x1f: {  	p0 =	sne.s32 s15, $0x18C0  }
.Ltmp0:
0x20: {  	_ = 	snop;
	(pc) =	sbr.rel @p0 .LBB2_2-.Ltmp0, $4  }
0x21: {  	v2 =	vmul.u32 $0x3E8, v0  }
0x22: {  	s16 =	sshra.s32 s15, $0x2  }
0x23: {  	v0 =	vld [tilespmem:s16+$0x0];
	v2 =	vadd.s32 v1, v2  }
0x24: {  	s15 =	sadd.s32 $0x40, s15;
	v1 =	vld [tilespmem:s16+$0x640];
	[tilespmem:s14+$0xC80] =	vst v2;
	s14 =	smov.u32 s16  }
0x25: {  	_ =	sdelay $0x2  }
0x26: {  	v0 =	vmul.u32 $0x3E8, v0;
	_ =	sdelay $0x1  }
0x27: {  	v0 =	vadd.s32 v1, v0  }
0x28: {  	s17 =	simm.s32 $0xC80;
	s15 =	simm.s32 $0x12C0;
	[tilespmem:s14+$0xC80] =	vst v0  }
0x29: {  	[tilespmem:s15], [sflag:$0x1] =	stream.indirect.gather [hbm4b:s3+s12], $0x1, s17, s12, $0xb8;
	[tilespmem:$0x3850] =	vst v63  }
0x2a: {  	s16 =	simm.s32 $0xCD0;
	s17 =	simm.s32 $0x1310  }
0x2b: {  	[tilespmem:s17], [sflag:$0x1] =	stream.indirect.gather [hbm4b:s3+s12], $0x1, s16, s12, $0xb8;
	[tilespmem:$0x3850] =	vst v63  }
0x2c: {  	s16 =	simm.s32 $0xD20;
	s17 =	simm.s32 $0x1360  }
0x2d: {  	[tilespmem:s17], [sflag:$0x1] =	stream.indirect.gather [hbm4b:s3+s12], $0x1, s16, s12, $0xb8;
	[tilespmem:$0x3850] =	vst v63  }
0x2e: {  	s16 =	simm.s32 $0xD70;
	s17 =	simm.s32 $0x13B0  }
0x2f: {  	[tilespmem:s17], [sflag:$0x1] =	stream.indirect.gather [hbm4b:s3+s12], $0x1, s16, s12, $0xb8;
	[tilespmem:$0x3850] =	vst v63  }
0x30: {  	s16 =	simm.s32 $0xDC0;
	s17 =	simm.s32 $0x1400  }
0x31: {  	[tilespmem:s17], [sflag:$0x1] =	stream.indirect.gather [hbm4b:s3+s12], $0x1, s16, s12, $0xb8;
	[tilespmem:$0x3850] =	vst v63  }
0x32: {  	s16 =	simm.s32 $0xE10;
	s17 =	simm.s32 $0x1450  }
0x33: {  	[tilespmem:s17], [sflag:$0x1] =	stream.indirect.gather [hbm4b:s3+s12], $0x1, s16, s12, $0xb8;
	[tilespmem:$0x3850] =	vst v63  }
0x34: {  	s16 =	simm.s32 $0xE60;
	s17 =	simm.s32 $0x14A0  }
0x35: {  	[tilespmem:s17], [sflag:$0x1] =	stream.indirect.gather [hbm4b:s3+s12], $0x1, s16, s12, $0xb8;
	[tilespmem:$0x3850] =	vst v63  }
0x36: {  	s16 =	simm.s32 $0xEB0;
	s17 =	simm.s32 $0x14F0  }
0x37: {  	[tilespmem:s17], [sflag:$0x1] =	stream.indirect.gather [hbm4b:s3+s12], $0x1, s16, s12, $0xb8;
	[tilespmem:$0x3850] =	vst v63  }
0x38: {  	s16 =	simm.s32 $0xF00;
	s17 =	simm.s32 $0x1540  }
0x39: {  	[tilespmem:s17], [sflag:$0x1] =	stream.indirect.gather [hbm4b:s3+s12], $0x1, s16, s12, $0xb8;
	[tilespmem:$0x3850] =	vst v63  }
0x3a: {  	s16 =	simm.s32 $0xF50;
	s17 =	simm.s32 $0x1590  }
0x3b: {  	[tilespmem:s17], [sflag:$0x1] =	stream.indirect.gather [hbm4b:s3+s12], $0x1, s16, s12, $0xb8;
	[tilespmem:$0x3850] =	vst v63  }
0x3c: {  	s16 =	simm.s32 $0xFA0;
	s17 =	simm.s32 $0x15E0  }
0x3d: {  	[tilespmem:s17], [sflag:$0x1] =	stream.indirect.gather [hbm4b:s3+s12], $0x1, s16, s12, $0xb8;
	[tilespmem:$0x3850] =	vst v63  }
0x3e: {  	s16 =	simm.s32 $0xFF0;
	s17 =	simm.s32 $0x1630  }
0x3f: {  	[tilespmem:s17], [sflag:$0x1] =	stream.indirect.gather [hbm4b:s3+s12], $0x1, s16, s12, $0xb8;
	[tilespmem:$0x3850] =	vst v63  }
0x40: {  	s15 =	simm.s32 $0x1040;
	s16 =	simm.s32 $0x1680  }
0x41: {  	[tilespmem:s16], [sflag:$0x1] =	stream.indirect.gather [hbm4b:s3+s12], $0x1, s15, s12, $0xb8;
	[tilespmem:$0x3850] =	vst v63  }
0x42: {  	_ = 	snop  }
0x43: {  	[tilespmem:s19], [sflag:$0x1] =	stream.indirect.gather [hbm4b:s3+s12], $0x1, s18, s12, $0xb8;
	[tilespmem:$0x3850] =	vst v63  }
0x44: {  	_ = 	snop  }
0x45: {  	[tilespmem:s21], [sflag:$0x1] =	stream.indirect.gather [hbm4b:s3+s12], $0x1, s20, s12, $0xb8;
	[tilespmem:$0x3850] =	vst v63  }
0x46: {  	_ = 	snop  }
0x47: {  	[tilespmem:s23], [sflag:$0x1] =	stream.indirect.gather [hbm4b:s3+s12], $0x1, s22, s12, $0xb8;
	[tilespmem:$0x3850] =	vst v63  }
0x48: {  	_ = 	snop  }
0x49: {  	[tilespmem:s25], [sflag:$0x1] =	stream.indirect.gather [hbm4b:s3+s12], $0x1, s24, s12, $0xb8;
	[tilespmem:$0x3850] =	vst v63  }
0x4a: {  	_ = 	snop  }
0x4b: {  	[tilespmem:s28], [sflag:$0x1] =	stream.indirect.gather [hbm4b:s3+s12], $0x1, s26, s12, $0xb8;
	[tilespmem:$0x3850] =	vst v63  }
0x4c: {  	_ = 	snop  }
0x4d: {  	[tilespmem:s30], [sflag:$0x1] =	stream.indirect.gather [hbm4b:s3+s12], $0x1, s29, s12, $0xb8;
	[tilespmem:$0x3850] =	vst v63  }
0x4e: {  	_ = 	snop  }
0x4f: {  	[tilespmem:s1], [sflag:$0x1] =	stream.indirect.gather [hbm4b:s3+s12], $0x1, s31, s12, $0xb8;
	[tilespmem:$0x3850] =	vst v63  }
0x50: {  	_ =	swait.ge [sflag:s0], $0x640  }
0x51: {  	[sflag:s0] =	ssyncset.done $0x0  }
0x52: {  	s17 =	simm.s32 $0x0;
	[sflag:s0] =	ssyncadd.s32 $0xFFFFF9C0  }
0x53: {  	v0 =	vld [tilespmem:s17+$0x0];
	_ =	sdelay $0x3  }
0x54: {  	s14 =	simm.s32 $0x10  }
0x55: {  	v1 =	vld [tilespmem:s14+$0x0];
	v0 =	vshll.u32 v0, $0x3;
	_ =	sdelay $0x3  }
0x56: {  	v4 =	vld [tilespmem:s17+$0x12C0]  }
0x57: {  	s15 =	simm.s32 $0x20;
	v1 =	vshll.u32 v1, $0x3;
	v3 =	vld.idx.msk [tilespmem:v0+s9+$0x0], $0xffff  }
0x58: {  	v2 =	vld [tilespmem:s15+$0x0];
	_ =	sdelay $0x3  }
0x59: {  	s16 =	simm.s32 $0xC0;
	v0 =	vimm.f32 $0.0e+00;
	v1 =	vld.idx.msk [tilespmem:v1+s9+$0x0], $0xffff;
	v3 =	vsub.f32 v3, v4  }
.LBB2_4:
0x5a: {  	s17 =	sshra.s32 s16, $0x2;
	p0 =	sne.s32 s16, $0x18C0;
	s16 =	sadd.s32 $0x40, s16;
	v4 =	vshll.u32 v2, $0x3;
	v5 =	vld [tilespmem:s14+$0x12C0]  }
.Ltmp1:
0x5b: {  	s14 =	smov.u32 s15;
	v2 =	vld [tilespmem:s17+$0x0];
	v0 =	vadd.f32 v3, v0;
	s15 =	smov.u32 s17;
	(pc) =	sbr.rel @p0 .LBB2_4-.Ltmp1, $2  }
0x5c: {  	_ =	sdelay $0x2  }
0x5d: {  	v3 =	vsub.f32 v1, v5;
	v1 =	vld.idx.msk [tilespmem:v4+s9+$0x0], $0xffff  }
0x5e: {  	v2 =	vshll.u32 v2, $0x3;
	_ =	sdelay $0x2  }
0x5f: {  	v4 =	vld [tilespmem:s14+$0x12C0]  }
0x60: {  	v5 =	vld [tilespmem:s15+$0x12C0]  }
0x61: {  	v2 =	vld.idx.msk [tilespmem:v2+s9+$0x0], $0xffff;
	_ =	sdelay $0x2  }
0x62: {  	v0 =	vadd.f32 v3, v0;
	v1 =	vsub.f32 v1, v4;
	_ =	sdelay $0x1  }
0x63: {  	v0 =	vadd.f32 v1, v0;
	v63 =	vsub.f32 v2, v5;
	_ =	sdelay $0x1  }
0x64: {  	s13 =	sadd.s32 $0x1, s13;
	v0 =	vadd.f32 v63, v0  }
0x65: {  	p0 =	sne.s32 s13, s8  }
.Ltmp2:
0x66: {  	[tilespmem:$0x3840] =	vst v0;
	(pc) =	sbr.rel @p0 .LBB2_1-.Ltmp2, $4  }
0x67: {  	[hbm4b:s7+s2] =	stream.linear.scatter [tilespmem:s11], [sflag:$0x2], $0x10, $0x38;
	[tilespmem:$0x3850] =	vst v63  }
0x68: {  	_ =	swait.ge [sflag:s10], $0x10  }
0x69: {  	[sflag:s10] =	ssyncset.done $0x0  }
0x6a: {  	[sflag:s10] =	ssyncadd.s32 $0xFFFFFFF0  }
0x6b: {  	_ =	sfence.sel $0x180000  }
0x6c: {  	[bflag:$0x0] =	sbarrier.arrive $0xFFFF  }
0x6d: {  	_ =	strace $0x9000004A  }
0x6e: {  	s0 =	stileid.u32;
	[bflag:$0x2] =	sbarrier.arrive $0xFFFF  }
0x6f: {  	p0 =	sne.s32 s0, $0x0;
	s0 =	rddreg [dreg:$0x1]  }
0x70: {  	s0 =	sadd.s32 @!p0 $0x100000, s0  }
0x71: {  	[sflag:s0] =	ssyncadd.tile.s32 @!p0 $0x1;
	_ =	shalt  }
.Lfunc_end2:
_tile_overlayer_lowered:
.L_overlay_start_2:
0x72: {  	(tag) =	ssettag $0x2  }
0x73: {  	s0 =	rddreg [dreg:$0x0];
	s2 =	stileid.u32  }
0x74: {  	s1 =	rddreg [dreg:$0x1];
	p0 =	sne.s32 s2, $0x0  }
0x75: {  	s3 =	rddreg [dreg:$0x2];
	[bflag:$0x3] =	sbarrier.arrive $0xFFFF;
	s2 =	simm.s32 @!p0 $0x1C02  }
0x76: {  	[timem:s3], [sflag:s2] =	dma.local @!p0 [hbm:s0], s1  }
0x77: {  	s0 =	simm.s32 @!p0 $0x2  }
0x78: {  	_ =	swait.ge @!p0 [sflag:s0], s1  }
0x79: {  	s1 =	ssub.s32 @!p0 $0x0, s1;
	[sflag:s0] =	ssyncset.done @!p0 $0x0  }
0x7a: {  	[sflag:s0] =	ssyncadd.s32 @!p0 s1  }
0x7b: {  	[bflag:$0x3] =	sbarrier.arrive $0xFFFF  }
0x7c: {  	_ =	shalt  }

// kernel: kernel.9.cloned.1.call-start
scs
__scs_entry_jumppad:
0x0: {  	(pc) =	sbr.rel $0x88, $3  }
0x1: {  	(tag) =	ssettag $0x0;
	lr =	simm.s32 $0x1  }
0x2: {  	[smem:$0x3F9E] =	sst lr;
	_ =	strace $0xD0000000  }
0x3: {  	_ = 	snop  }
0x4: {  	_ = 	snop  }
0x5: {  	_ = 	snop  }
0x6: {  	_ = 	snop  }
0x7: {  	_ = 	snop  }
__scs_overlays_trampoline_lowered:
0x8: {  	[smem:$0x3FAD] =	sst s0  }
0x9: {  	[smem:$0x3FAE] =	sst s1  }
0xa: {  	[smem:$0x3FAF] =	sst s2  }
0xb: {  	[smem:$0x3FB0] =	sst s3  }
0xc: {  	[smem:$0x3FB1] =	sst s4  }
0xd: {  	[smem:$0x3FB2] =	sst s5  }
0xe: {  	[smem:$0x3FB3] =	sst s6  }
0xf: {  	[smem:$0x3FB4] =	sst s7  }
0x10: {  	[smem:$0x3FB5] =	sst s8  }
0x11: {  	[smem:$0x3FB6] =	sst s9;
	s0 =	simm.s32 @!p0 $0x0  }
0x12: {  	s1 =	sld [smem:$0x3F9C];
	s0 =	simm.s32 @p0 $0x1  }
0x13: {  	[smem:$0x3FB7] =	sst s0;
	s0 =	simm.s32 @!p1 $0x0  }
0x14: {  	s2 =	sld [smem:$0x3F9B];
	s0 =	simm.s32 @p1 $0x1  }
0x15: {  	[smem:$0x3FB8] =	sst s0;
	s0 =	simm.s32 @!p2 $0x0  }
0x16: {  	s3 =	sld [smem:$0x3FDB];
	s0 =	simm.s32 @p2 $0x1  }
0x17: {  	s4 =	simm.s32 $0x1BF5;
	[smem:$0x3FBA] =	sst s0  }
0x18: {  	s0 =	sld [smem:$0x3F9D];
	_ =	swait.ge [sflag:s4], $0x0  }
0x19: {  	s7 =	sld [smem:$0x3F9E]  }
0x1a: {  	s8 =	sadd.s32 $0xFFFFE003, lr  }
0x1b: {  	s9 =	sadd.s32 $0xFFFFFEF7, lr;
	s5 =	simm.s32 $0xFFFFFFFF;
	p2 =	slt.u32 s8, $0xFFFFF086  }
0x1c: {  	p1 =	slt.u32 s9, $0xF7A;
	s5 =	simm.s32 @!p2 $0x0  }
0x1d: {  	s5 =	simm.s32 @p1 $0x1;
	p0 =	seq.s32 s7, s2  }
0x1e: {  	s7 =	smul.u32 @!p0 $0xF7A, s2;
	p2 =	seq.s32 @!p0 s5, $0x0  }
0x1f: {  	s9 =	smul.u32 $0xF7A, s1;
	s8 =	simm.s32 @!p0 $0x1BF5;
	p2 =	por !p2, p0  }
0x20: {  	[sflag:s8] =	ssyncset.s32 @!p0 $0xFFFFF086;
	s6 =	sadd.s32 @!p0 s3, s7;
	s7 =	simm.s32 @!p0 $0x108  }
0x21: {  	s3 =	sadd.s32 s3, s9;
	s6 =	sadd.s32 @!p0 $0x88, s6;
	s7 =	simm.s32 @p2 $0x1082  }
0x22: {  	[simem:s7], [sflag:s8] =	dma.local @!p0 [hbm:s6], $0xF7A  }
0x23: {  	s9 =	sor.u32 $0xD0000000, s2;
	s6 =	simm.s32 $0x108;
	_ =	swait.ge @!p0 [sflag:s8], $0x0  }
0x24: {  	s3 =	sadd.s32 $0x88, s3;
	s6 =	simm.s32 @!p1 $0x1082;
	[sflag:s4] =	ssyncset.s32 $0xFFFFF086  }
0x25: {  	[simem:s6], [sflag:s4] =	dma.local [hbm:s3], $0xF7A  }
0x26: {  	[smem:$0x3F9E] =	sst s1;
	(tag) =	ssettag s2;
	_ =	strace s9  }
0x27: {  	s1 =	sld [smem:$0x3FAE]  }
0x28: {  	s2 =	sld [smem:$0x3FAF]  }
0x29: {  	s4 =	sld [smem:$0x3FB1]  }
0x2a: {  	p0 =	seq.s32 s5, $0x0;
	s5 =	sld [smem:$0x3FB2]  }
0x2b: {  	s6 =	sld [smem:$0x3FB3]  }
0x2c: {  	s7 =	sld [smem:$0x3FB4]  }
0x2d: {  	s3 =	simm.s32 $0x108;
	s8 =	sld [smem:$0x3FB5]  }
0x2e: {  	s3 =	simm.s32 @!p0 $0x1082;
	s9 =	sld [smem:$0x3FB6]  }
0x2f: {  	lr =	sadd.s32 s0, s3;
	s0 =	sld [smem:$0x3FAD]  }
0x30: {  	s3 =	sld [smem:$0x3FB0]  }
0x31: {  	[smem:$0x3FB9] =	sst s10  }
0x32: {  	s10 =	sld [smem:$0x3FB7];
	_ =	sdelay $0x3  }
0x33: {  	p0 =	seq.s32 s10, $0x1;
	s10 =	sld [smem:$0x3FB9];
	_ =	sdelay $0x3  }
0x34: {  	[smem:$0x3FB9] =	sst s10  }
0x35: {  	s10 =	sld [smem:$0x3FB8];
	_ =	sdelay $0x3  }
0x36: {  	p1 =	seq.s32 s10, $0x1;
	s10 =	sld [smem:$0x3FB9];
	_ =	sdelay $0x3  }
0x37: {  	[smem:$0x3FB9] =	sst s10  }
0x38: {  	s10 =	sld [smem:$0x3FBA]  }
0x39: {  	_ = 	snop;
	(pc) =	sbr.ind lr, $3  }
0x3a: {  	_ = 	snop  }
0x3b: {  	_ = 	snop  }
0x3c: {  	p2 =	seq.s32 s10, $0x1;
	s10 =	sld [smem:$0x3FB9]  }
0x3d: {  	_ =	shalt  }
0x3e: {  	_ =	shalt  }
0x3f: {  	_ =	shalt  }
0x40: {  	_ =	shalt  }
0x41: {  	_ =	shalt  }
0x42: {  	_ =	shalt  }
0x43: {  	_ =	shalt  }
0x44: {  	_ =	shalt  }
0x45: {  	_ =	shalt  }
0x46: {  	_ =	shalt  }
0x47: {  	_ =	shalt  }
0x48: {  	_ =	shalt  }
0x49: {  	_ =	shalt  }
0x4a: {  	_ =	shalt  }
0x4b: {  	_ =	shalt  }
0x4c: {  	_ =	shalt  }
0x4d: {  	_ =	shalt  }
0x4e: {  	_ =	shalt  }
0x4f: {  	_ =	shalt  }
0x50: {  	_ =	shalt  }
0x51: {  	_ =	shalt  }
0x52: {  	_ =	shalt  }
0x53: {  	_ =	shalt  }
0x54: {  	_ =	shalt  }
0x55: {  	_ =	shalt  }
0x56: {  	_ =	shalt  }
0x57: {  	_ =	shalt  }
0x58: {  	_ =	shalt  }
0x59: {  	_ =	shalt  }
0x5a: {  	_ =	shalt  }
0x5b: {  	_ =	shalt  }
0x5c: {  	_ =	shalt  }
0x5d: {  	_ =	shalt  }
0x5e: {  	_ =	shalt  }
0x5f: {  	_ =	shalt  }
0x60: {  	_ =	shalt  }
0x61: {  	_ =	shalt  }
0x62: {  	_ =	shalt  }
0x63: {  	_ =	shalt  }
0x64: {  	_ =	shalt  }
0x65: {  	_ =	shalt  }
0x66: {  	_ =	shalt  }
0x67: {  	_ =	shalt  }
0x68: {  	_ =	shalt  }
0x69: {  	_ =	shalt  }
0x6a: {  	_ =	shalt  }
0x6b: {  	_ =	shalt  }
0x6c: {  	_ =	shalt  }
0x6d: {  	_ =	shalt  }
0x6e: {  	_ =	shalt  }
0x6f: {  	_ =	shalt  }
0x70: {  	_ =	shalt  }
0x71: {  	_ =	shalt  }
0x72: {  	_ =	shalt  }
0x73: {  	_ =	shalt  }
0x74: {  	_ =	shalt  }
0x75: {  	_ =	shalt  }
0x76: {  	_ =	shalt  }
0x77: {  	_ =	shalt  }
0x78: {  	_ =	shalt  }
0x79: {  	_ =	shalt  }
0x7a: {  	_ =	shalt  }
0x7b: {  	_ =	shalt  }
0x7c: {  	_ =	shalt  }
0x7d: {  	_ =	shalt  }
0x7e: {  	_ =	shalt  }
0x7f: {  	_ =	shalt  }
0x80: {  	_ =	shalt  }
0x81: {  	_ =	shalt  }
0x82: {  	_ =	shalt  }
0x83: {  	_ =	shalt  }
0x84: {  	_ =	shalt  }
0x85: {  	_ =	shalt  }
0x86: {  	_ =	shalt  }
0x87: {  	_ =	shalt  }
.Lfunc_end0:
.L_simem_size_0:
called_computation.2_lowered:
.L_overlay_start_0:
0x88: {  	s2 =	sld [smem:$0x3FD9]  }
0x89: {  	s3 =	sld [smem:$0x3FFE];
	_ =	sdelay $0x1  }
0x8a: {  	s1 =	srdreg.scid  }
0x8b: {  	s0 =	sand.u32 $0x1, s1  }
0x8c: {  	s14 =	sshll.u32 s0, $0xA;
	s2 =	sadd.s32 s3, s2  }
0x8d: {  	s2 =	sadd.s32 s2, s14  }
0x8e: {  	[smem:$0x3FC5] =	sst s2  }
0x8f: {  	_ = 	snop  }
0x90: {  	s2 =	sld [smem:$0x3FD0];
	_ =	sdelay $0x2  }
0x91: {  	s15 =	simm.s32 $0xB;
	s4 =	simm.s32 $0x10  }
0x92: {  	[smem:s4], [sflag:s15] =	dma.local [hbm:s2], $0x1  }
0x93: {  	_ =	swait.eq [sflag:s15], $0x1  }
0x94: {  	[sflag:s15] =	ssyncset.done $0x0  }
0x95: {  	[sflag:s15] =	ssyncadd.s32 $0xFFFFFFFF  }
0x96: {  	s16 =	sld [smem:$0x10];
	(tm) =	ssettm $0x1  }
0x97: {  	s17 =	sld [smem:$0x3FFB];
	_ =	sdelay $0x3  }
0x98: {  	_ =	strace s17  }
0x99: {  	s3 =	sld [smem:$0x3FFC];
	_ =	sdelay $0x3  }
0x9a: {  	_ =	strace s3  }
0x9b: {  	s3 =	sld [smem:$0x3FFD];
	_ =	sdelay $0x3  }
0x9c: {  	_ =	strace s3  }
0x9d: {  	_ =	strace $0x8FFFFFFF  }
0x9e: {  	s18 =	sld [smem:$0x3FDB];
	_ =	sdelay $0x1  }
0x9f: {  	s19 =	simm.s32 $_scs_section_size  }
0xa0: {  	s5 =	simm.s32 $_size__tile_overlayer_lowered;
	s6 =	simm.s32 $_tile_overlayer_lowered  }
0xa1: {  	s22 =	simm.s32 $0x1BFF;
	s21 =	sshll.u32 s6, $0x1;
	s3 =	sadd.s32 s19, s18  }
0xa2: {  	s7 =	simm.s32 $0x0;
	s20 =	sshll.u32 s5, $0x1;
	s5 =	sadd.s32 s21, s3  }
0xa3: {  	[timem:s7], [sflag:s22] =	dma.local [hbm:s5], s20  }
0xa4: {  	_ =	swait.ge [sflag:s22], s20  }
0xa5: {  	s4 =	ssub.s32 $0x0, s20;
	[sflag:s22] =	ssyncset.done $0x0  }
0xa6: {  	[sflag:s22] =	ssyncadd.s32 s4;
	_ =	sdelay $0x1  }
0xa7: {  	s23 =	simm.s32 $0x1B8B  }
0xa8: {  	_ =	swait.ge [sflag:s23], $0x1  }
0xa9: {  	[sflag:s23] =	ssyncset.done $0x0  }
0xaa: {  	s25 =	simm.s32 $0x1B8E;
	s24 =	sld [smem:$0x3FFE];
	[sflag:s23] =	ssyncadd.s32 $0xFFFFFFFF  }
0xab: {  	s26 =	simm.s32 $execute0_lowered;
	[smem:$0x3FD2] =	sst s25  }
0xac: {  	s5 =	sshll.u32 s26, $0x1;
	_ =	strace $0x80000046;
	[dreg:$0x1] =	wrdreg $0xFFFFFFFF  }
0xad: {  	s28 =	simm.s32 $_size_execute0_lowered;
	s3 =	sadd.s32 s3, s5;
	[dreg:$0x0] =	wrdreg $0x0  }
0xae: {  	s5 =	sshll.u32 s28, $0x1;
	[dreg:$0x2] =	wrdreg s3  }
0xaf: {  	[dreg:$0x3] =	wrdreg s5  }
0xb0: {  	[dreg:$0x4] =	wrdreg $0xC0  }
0xb1: {  	_ =	task [dreg:s7], $0x5FFFF  }
0xb2: {  	[dreg:$0x1] =	wrdreg $0xFFFFFFFF  }
0xb3: {  	[dreg:$0x0] =	wrdreg $0x60  }
0xb4: {  	[dreg:$0x2] =	wrdreg s24  }
0xb5: {  	[dreg:$0x3] =	wrdreg s16  }
0xb6: {  	[dreg:$0x4] =	wrdreg $0xA  }
0xb7: {  	_ =	task.clear_ibuf [dreg:s7], $0x5FFFF;
	_ =	strace $0x90000046  }
0xb8: {  	s29 =	simm.s32 $0xA;
	_ =	strace $0x80000048  }
0xb9: {  	_ =	swait.ge [sflag:s29], $0x1  }
0xba: {  	[sflag:s29] =	ssyncadd.s32 $0xFFFFFFFF  }
0xbb: {  	_ =	strace $0x90000048  }
0xbc: {  	_ =	sfence  }
0xbd: {  	s30 =	sld [smem:$0x0];
	_ =	sdelay $0x2  }
0xbe: {  	s31 =	sshll.u32 s1, $0xD;
	s1 =	sshrl.u32 s1, $0x2  }
0xbf: {  	s3 =	sand.u32 $0x4000, s31;
	s1 =	sadd.s32 s1, s30  }
0xc0: {  	s0 =	sor.u32 s3, s0;
	s1 =	sshll.u32 s1, $0x11  }
0xc1: {  	s0 =	sor.u32 s1, s0  }
0xc2: {  	s0 =	sadd.s32 $0x8F2B, s0  }
0xc3: {  	[sflag:s0] =	ssyncadd.remote.s32 $0x1  }
0xc4: {  	_ =	sfence.sel $0xFFFF  }
0xc5: {  	[dreg:$0x0] =	wrdreg $0xFFFFFFFF;
	(pc) =	sbr.abs _section_cstart, $3  }
0xc6: {  	[dreg:$0x1] =	wrdreg $0xFFFFFFFF  }
0xc7: {  	_ =	task.clear_ibuf [dreg:s7], $0x2FFFF;
	_ =	strace $0x9FFFFFFF  }
0xc8: {  	(tm) =	ssettm $0x7FFFFFFF  }
0xc9: {  	_ =	shalt  }
tec
execute0_lowered:
.L_overlay_start_1:
0x0: {  	(tag) =	ssettag $0x1  }
0x1: {  	s0 =	rddreg [dreg:$0x0]  }
0x2: {  	s2 =	rddreg [dreg:$0x1];
	s3 =	simm.s32 $0x0  }
0x3: {  	s1 =	srdreg.scid;
	s13 =	stileid.u32;
	s15 =	simm.s32 $0x5  }
0x4: {  	s16 =	simm.s32 $0x100;
	s17 =	simm.s32 $0xA900;
	s18 =	simm.s32 $0xB100  }
0x5: {  	s19 =	simm.s32 $0xB900;
	s20 =	simm.s32 $0xC100;
	s21 =	simm.s32 $0xC900  }
0x6: {  	s22 =	simm.s32 $0xD100;
	s28 =	simm.s32 $0xF900;
	s29 =	simm.s32 $0x1  }
0x7: {  	s30 =	simm.s32 $0x2;
	s31 =	simm.s32 $0x3;
	s9 =	smul.u32 $0x320000, s13  }
0x8: {  	[smem:$0x7FF] =	sst s3;
	s1 =	sand.u32 $0x1, s1;
	s23 =	smul.u32 $0xC80, s13  }
0x9: {  	s4 =	sshll.u32 s13, $0x1;
	s8 =	sadd.s32 $0x300, s2;
	s24 =	smul.u32 $0x64000, s13  }
0xa: {  	s13 =	simm.s32 $0xA100;
	_ =	strace $0x80000047;
	s11 =	smul.u32 $0x190000, s1  }
0xb: {  	s5 =	sor.u32 s1, s4;
	s6 =	ssub.s32 $0x2, s1;
	s12 =	smul.u32 $0x640, s1  }
0xc: {  	s4 =	sadd.s32 $0x1000, s0;
	s1 =	smul.u32 $0x32000, s1;
	s7 =	sshrl.u32 s6, $0x1  }
0xd: {  	s0 =	sadd.s32 $0x2A00, s0;
	s5 =	smul.u32 $0x640, s5;
	s10 =	ssub.s32 s6, s7  }
0xe: {  	s6 =	sadd.s32 $0x100, s2;
	s7 =	sadd.s32 $0x200, s2;
	s9 =	sadd.s32 s11, s9  }
0xf: {  	s5 =	sshrl.u32 s5, $0x3;
	s10 =	smax.u32 s10, $0x1;
	s9 =	sshrl.u32 s9, $0x3  }
0x10: {  	s14 =	sadd.s32 s4, s5;
	[dreg:$0x5] =	wrdreg s10;
	s5 =	sadd.s32 s12, s23  }
0x11: {  	s10 =	sadd.s32 s24, s0;
	s11 =	sadd.s32 s9, s0;
	s9 =	simm.s32 $0x8100  }
0x12: {  	s23 =	simm.s32 $0xD900;
	s24 =	simm.s32 $0xE100;
	[dreg:$0x3] =	wrdreg s14  }
.Ltmp0:
0x13: {  	s14 =	sadd.s32 $0x4, s14;
	s12 =	sadd.s32 $0x60, s5;
	(pc) =	sbr.rel .LBB2_1-.Ltmp0, $4  }
0x14: {  	s1 =	sadd.s32 s1, s10;
	s26 =	sadd.s32 $0x40, s5;
	[dreg:$0x4] =	wrdreg s14  }
0x15: {  	v2 =	vlaneseq.u32;
	s5 =	simm.s32 $0x0;
	s25 =	sshrl.u32 s12, $0x3;
	[dreg:$0x7] =	wrdreg s26  }
0x16: {  	vm0 =	vmmov $0xffff;
	v1 =	vshrl.u32 v2, $0x3;
	s14 =	sadd.s32 $0x1000, s1;
	s26 =	simm.s32 $0xF100;
	s0 =	sadd.s32 s25, s4  }
0x17: {  	v0 =	vand.u32 $0x7, v2;
	v2 =	vor.u32 $0x8, v2;
	v1 =	vmul.u32 $0x8, v1;
	s25 =	simm.s32 $0xE900;
	[dreg:$0x6] =	wrdreg s0;
	s0 =	simm.s32 $0x4  }
.LBB2_4:
0x18: {  	_ =	swait.ge [sflag:s0], $0x8000  }
0x19: {  	s5 =	rddreg [dreg:$0x8]  }
0x1a: {  	s1 =	rddreg [dreg:$0x5];
	s5 =	sadd.s32 $0x1, s5  }
0x1b: {  	p0 =	sne.s32 s5, s1  }
.Ltmp1:
0x1c: {  	_ = 	snop;
	(pc) =	sbr.rel @!p0 .LBB2_5-.Ltmp1, $3  }
0x1d: {  	_ =	sdelay $0x1  }
0x1e: {  	[sflag:s0] =	ssyncset.done $0x0  }
0x1f: {  	[sflag:s0] =	ssyncadd.s32 $0xFFFF8000  }
.LBB2_1:
0x20: {  	[dreg:$0x8] =	wrdreg s5  }
0x21: {  	s1 =	rddreg [dreg:$0x3]  }
0x22: {  	[tilespmem:s3], [sflag:$0x5] =	stream.linear.gather [hbm4b:s1+s3], $0x20, $0x38;
	[tilespmem:$0x10100] =	vst v63  }
0x23: {  	_ =	swait.ge [sflag:s15], $0x20  }
0x24: {  	[sflag:s15] =	ssyncset.done $0x0  }
0x25: {  	[sflag:s15] =	ssyncadd.s32 $0xFFFFFFE0  }
0x26: {  	v3 =	vld [tilespmem:$0x0];
	_ =	sdelay $0x4  }
0x27: {  	v4 =	vshll.u32 v3, $0x3  }
0x28: {  	v3 =	vand.u32 $0x7, v3;
	v4 =	vand.u32 $0xFFFFFFC0, v4  }
0x29: {  	v3 =	vor.u32 v3, v4  }
0x2a: {  	v4 =	vperm.xlane v3, v0;
	_ =	sdelay $0x1  }
0x2b: {  	v4 =	vadd.s32 v1, v4;
	_ =	sdelay $0x4  }
0x2c: {  	[tilespmem:s16], [sflag:$0x1] =	stream.indirect_vreg.gather [hbm4b:s2+s3], $0x80, v4, vm0, $0xb8;
	[tilespmem:$0x10100] =	vst v63  }
0x2d: {  	s10 =	simm.s32 $0x900;
	v3 =	vperm.xlane v3, v2  }
0x2e: {  	[tilespmem:s10], [sflag:$0x1] =	stream.indirect_vreg.gather [hbm4b:s6+s3], $0x80, v4, vm0, $0xb8;
	[tilespmem:$0x10100] =	vst v63  }
0x2f: {  	s12 =	simm.s32 $0x1100;
	v3 =	vadd.s32 v1, v3  }
0x30: {  	[tilespmem:s12], [sflag:$0x1] =	stream.indirect_vreg.gather [hbm4b:s7+s3], $0x80, v4, vm0, $0xb8;
	[tilespmem:$0x10100] =	vst v63  }
0x31: {  	s5 =	simm.s32 $0x1900  }
0x32: {  	[tilespmem:s5], [sflag:$0x1] =	stream.indirect_vreg.gather [hbm4b:s8+s3], $0x80, v4, vm0, $0xb8;
	[tilespmem:$0x10100] =	vst v63  }
0x33: {  	s10 =	simm.s32 $0x2100  }
0x34: {  	[tilespmem:s10], [sflag:$0x1] =	stream.indirect_vreg.gather [hbm4b:s2+s3], $0x80, v3, vm0, $0xb8;
	[tilespmem:$0x10100] =	vst v63  }
0x35: {  	s12 =	simm.s32 $0x2900  }
0x36: {  	[tilespmem:s12], [sflag:$0x1] =	stream.indirect_vreg.gather [hbm4b:s6+s3], $0x80, v3, vm0, $0xb8;
	[tilespmem:$0x10100] =	vst v63  }
0x37: {  	s5 =	simm.s32 $0x3100  }
0x38: {  	[tilespmem:s5], [sflag:$0x1] =	stream.indirect_vreg.gather [hbm4b:s7+s3], $0x80, v3, vm0, $0xb8;
	[tilespmem:$0x10100] =	vst v63  }
0x39: {  	s10 =	simm.s32 $0x3900  }
0x3a: {  	[tilespmem:s10], [sflag:$0x1] =	stream.indirect_vreg.gather [hbm4b:s8+s3], $0x80, v3, vm0, $0xb8;
	[tilespmem:$0x10100] =	vst v63  }
0x3b: {  	v3 =	vld [tilespmem:$0x10];
	_ =	sdelay $0x4  }
0x3c: {  	v61 =	vshll.u32 v3, $0x3  }
0x3d: {  	v3 =	vand.u32 $0x7, v3;
	v4 =	vand.u32 $0xFFFFFFC0, v61  }
0x3e: {  	v3 =	vor.u32 v3, v4  }
0x3f: {  	v4 =	vperm.xlane v3, v0;
	_ =	sdelay $0x1  }
0x40: {  	v4 =	vadd.s32 v1, v4;
	_ =	sdelay $0x3  }
0x41: {  	s12 =	simm.s32 $0x4100  }
0x42: {  	[tilespmem:s12], [sflag:$0x1] =	stream.indirect_vreg.gather [hbm4b:s2+s3], $0x80, v4, vm0, $0xb8;
	[tilespmem:$0x10100] =	vst v63  }
0x43: {  	s5 =	simm.s32 $0x4900;
	v3 =	vperm.xlane v3, v2  }
0x44: {  	[tilespmem:s5], [sflag:$0x1] =	stream.indirect_vreg.gather [hbm4b:s6+s3], $0x80, v4, vm0, $0xb8;
	[tilespmem:$0x10100] =	vst v63  }
0x45: {  	s10 =	simm.s32 $0x5100;
	v3 =	vadd.s32 v1, v3  }
0x46: {  	[tilespmem:s10], [sflag:$0x1] =	stream.indirect_vreg.gather [hbm4b:s7+s3], $0x80, v4, vm0, $0xb8;
	[tilespmem:$0x10100] =	vst v63  }
0x47: {  	s12 =	simm.s32 $0x5900  }
0x48: {  	[tilespmem:s12], [sflag:$0x1] =	stream.indirect_vreg.gather [hbm4b:s8+s3], $0x80, v4, vm0, $0xb8;
	[tilespmem:$0x10100] =	vst v63  }
0x49: {  	s5 =	simm.s32 $0x6100  }
0x4a: {  	[tilespmem:s5], [sflag:$0x1] =	stream.indirect_vreg.gather [hbm4b:s2+s3], $0x80, v3, vm0, $0xb8;
	[tilespmem:$0x10100] =	vst v63  }
0x4b: {  	s10 =	simm.s32 $0x6900  }
0x4c: {  	[tilespmem:s10], [sflag:$0x1] =	stream.indirect_vreg.gather [hbm4b:s6+s3], $0x80, v3, vm0, $0xb8;
	[tilespmem:$0x10100] =	vst v63  }
0x4d: {  	s12 =	simm.s32 $0x7100  }
0x4e: {  	[tilespmem:s12], [sflag:$0x1] =	stream.indirect_vreg.gather [hbm4b:s7+s3], $0x80, v3, vm0, $0xb8;
	[tilespmem:$0x10100] =	vst v63  }
0x4f: {  	s5 =	simm.s32 $0x7900  }
0x50: {  	[tilespmem:s5], [sflag:$0x1] =	stream.indirect_vreg.gather [hbm4b:s8+s3], $0x80, v3, vm0, $0xb8;
	[tilespmem:$0x10100] =	vst v63  }
0x51: {  	s10 =	rddreg [dreg:$0x4];
	s12 =	simm.s32 $0x80  }
0x52: {  	[tilespmem:s12], [sflag:$0x5] =	stream.linear.gather [hbm4b:s10+s3], $0x20, $0x38;
	[tilespmem:$0x10100] =	vst v63  }
0x53: {  	_ =	swait.ge [sflag:s15], $0x20  }
0x54: {  	[sflag:s15] =	ssyncset.done $0x0  }
0x55: {  	[sflag:s15] =	ssyncadd.s32 $0xFFFFFFE0  }
0x56: {  	v3 =	vld [tilespmem:$0x80];
	_ =	sdelay $0x4  }
0x57: {  	v62 =	vshll.u32 v3, $0x3  }
0x58: {  	v3 =	vand.u32 $0x7, v3;
	v4 =	vand.u32 $0xFFFFFFC0, v62  }
0x59: {  	v3 =	vor.u32 v3, v4  }
0x5a: {  	v4 =	vperm.xlane v3, v0;
	_ =	sdelay $0x1  }
0x5b: {  	v4 =	vadd.s32 v1, v4;
	_ =	sdelay $0x4  }
0x5c: {  	[tilespmem:s9], [sflag:$0x2] =	stream.indirect_vreg.gather [hbm4b:s2+s3], $0x80, v4, vm0, $0xb8;
	[tilespmem:$0x10100] =	vst v63  }
0x5d: {  	s5 =	simm.s32 $0x8900;
	v3 =	vperm.xlane v3, v2  }
0x5e: {  	[tilespmem:s5], [sflag:$0x2] =	stream.indirect_vreg.gather [hbm4b:s6+s3], $0x80, v4, vm0, $0xb8;
	[tilespmem:$0x10100] =	vst v63  }
0x5f: {  	s10 =	simm.s32 $0x9100;
	v3 =	vadd.s32 v1, v3  }
0x60: {  	[tilespmem:s10], [sflag:$0x2] =	stream.indirect_vreg.gather [hbm4b:s7+s3], $0x80, v4, vm0, $0xb8;
	[tilespmem:$0x10100] =	vst v63  }
0x61: {  	s12 =	simm.s32 $0x9900  }
0x62: {  	[tilespmem:s12], [sflag:$0x2] =	stream.indirect_vreg.gather [hbm4b:s8+s3], $0x80, v4, vm0, $0xb8;
	[tilespmem:$0x10100] =	vst v63  }
0x63: {  	_ = 	snop  }
0x64: {  	[tilespmem:s13], [sflag:$0x2] =	stream.indirect_vreg.gather [hbm4b:s2+s3], $0x80, v3, vm0, $0xb8;
	[tilespmem:$0x10100] =	vst v63  }
0x65: {  	_ = 	snop  }
0x66: {  	[tilespmem:s17], [sflag:$0x2] =	stream.indirect_vreg.gather [hbm4b:s6+s3], $0x80, v3, vm0, $0xb8;
	[tilespmem:$0x10100] =	vst v63  }
0x67: {  	_ = 	snop  }
0x68: {  	[tilespmem:s18], [sflag:$0x2] =	stream.indirect_vreg.gather [hbm4b:s7+s3], $0x80, v3, vm0, $0xb8;
	[tilespmem:$0x10100] =	vst v63  }
0x69: {  	_ = 	snop  }
0x6a: {  	[tilespmem:s19], [sflag:$0x2] =	stream.indirect_vreg.gather [hbm4b:s8+s3], $0x80, v3, vm0, $0xb8;
	[tilespmem:$0x10100] =	vst v63  }
0x6b: {  	v3 =	vld [tilespmem:$0x90];
	_ =	sdelay $0x4  }
0x6c: {  	v63 =	vshll.u32 v3, $0x3  }
0x6d: {  	v3 =	vand.u32 $0x7, v3;
	v4 =	vand.u32 $0xFFFFFFC0, v63  }
0x6e: {  	v3 =	vor.u32 v3, v4  }
0x6f: {  	v4 =	vperm.xlane v3, v0;
	_ =	sdelay $0x1  }
0x70: {  	v4 =	vadd.s32 v1, v4;
	_ =	sdelay $0x4  }
0x71: {  	[tilespmem:s20], [sflag:$0x2] =	stream.indirect_vreg.gather [hbm4b:s2+s3], $0x80, v4, vm0, $0xb8;
	[tilespmem:$0x10100] =	vst v63  }
0x72: {  	v3 =	vperm.xlane v3, v2  }
0x73: {  	[tilespmem:s21], [sflag:$0x2] =	stream.indirect_vreg.gather [hbm4b:s6+s3], $0x80, v4, vm0, $0xb8;
	[tilespmem:$0x10100] =	vst v63  }
0x74: {  	v3 =	vadd.s32 v1, v3  }
0x75: {  	[tilespmem:s22], [sflag:$0x2] =	stream.indirect_vreg.gather [hbm4b:s7+s3], $0x80, v4, vm0, $0xb8;
	[tilespmem:$0x10100] =	vst v63  }
0x76: {  	_ = 	snop  }
0x77: {  	[tilespmem:s23], [sflag:$0x2] =	stream.indirect_vreg.gather [hbm4b:s8+s3], $0x80, v4, vm0, $0xb8;
	[tilespmem:$0x10100] =	vst v63  }
0x78: {  	_ = 	snop  }
0x79: {  	[tilespmem:s24], [sflag:$0x2] =	stream.indirect_vreg.gather [hbm4b:s2+s3], $0x80, v3, vm0, $0xb8;
	[tilespmem:$0x10100] =	vst v63  }
0x7a: {  	_ = 	snop  }
0x7b: {  	[tilespmem:s25], [sflag:$0x2] =	stream.indirect_vreg.gather [hbm4b:s6+s3], $0x80, v3, vm0, $0xb8;
	[tilespmem:$0x10100] =	vst v63  }
0x7c: {  	s1 =	rddreg [dreg:$0x7]  }
0x7d: {  	[tilespmem:s26], [sflag:$0x2] =	stream.indirect_vreg.gather [hbm4b:s7+s3], $0x80, v3, vm0, $0xb8;
	[tilespmem:$0x10100] =	vst v63  }
0x7e: {  	s5 =	simm.s32 $0x0;
	s10 =	rddreg [dreg:$0x6]  }
0x7f: {  	[tilespmem:s28], [sflag:$0x2] =	stream.indirect_vreg.gather [hbm4b:s8+s3], $0x80, v3, vm0, $0xb8;
	[tilespmem:$0x10100] =	vst v63  }
.LBB2_2:
0x80: {  	_ =	swait.ge [sflag:s29], $0x8000  }
0x81: {  	[sflag:s29] =	ssyncset.done $0x0  }
0x82: {  	s12 =	sadd.s32 s5, s11;
	[sflag:s29] =	ssyncadd.s32 $0xFFFF8000  }
0x83: {  	[hbm4b:s12+s3] =	stream.linear.scatter [tilespmem:s16], [sflag:$0x3], $0x8000, $0x38;
	[tilespmem:$0x10100] =	vst v63  }
0x84: {  	_ =	swait.ge [sflag:s30], $0x8000  }
0x85: {  	p0 =	seq.s32 s5, $0x30000;
	[sflag:s30] =	ssyncset.done $0x0  }
.Ltmp2:
0x86: {  	s12 =	sadd.s32 s5, s14;
	[sflag:s30] =	ssyncadd.s32 $0xFFFF8000;
	(pc) =	sbr.rel @p0 .LBB2_4-.Ltmp2, $4  }
0x87: {  	[hbm4b:s12+s3] =	stream.linear.scatter [tilespmem:s9], [sflag:$0x4], $0x8000, $0x38;
	[tilespmem:$0x10100] =	vst v63  }
0x88: {  	_ =	swait.ge [sflag:s31], $0x8000  }
0x89: {  	[sflag:s31] =	ssyncset.done $0x0  }
0x8a: {  	[sflag:s31] =	ssyncadd.s32 $0xFFFF8000  }
0x8b: {  	s12 =	sshrl.u32 s1, $0x3  }
0x8c: {  	s12 =	sadd.s32 s4, s12  }
0x8d: {  	[tilespmem:s3], [sflag:$0x5] =	stream.linear.gather [hbm4b:s12+s3], $0x20, $0x38;
	[tilespmem:$0x10100] =	vst v63  }
0x8e: {  	_ =	swait.ge [sflag:s15], $0x20  }
0x8f: {  	[sflag:s15] =	ssyncset.done $0x0  }
0x90: {  	[sflag:s15] =	ssyncadd.s32 $0xFFFFFFE0  }
0x91: {  	v3 =	vld [tilespmem:$0x0];
	_ =	sdelay $0x4  }
0x92: {  	v4 =	vshll.u32 v3, $0x3  }
0x93: {  	v3 =	vand.u32 $0x7, v3;
	v4 =	vand.u32 $0xFFFFFFC0, v4  }
0x94: {  	v3 =	vor.u32 v3, v4  }
0x95: {  	v4 =	vperm.xlane v3, v0;
	_ =	sdelay $0x1  }
0x96: {  	v4 =	vadd.s32 v1, v4;
	_ =	sdelay $0x4  }
0x97: {  	[tilespmem:s16], [sflag:$0x1] =	stream.indirect_vreg.gather [hbm4b:s2+s3], $0x80, v4, vm0, $0xb8;
	[tilespmem:$0x10100] =	vst v63  }
0x98: {  	s12 =	simm.s32 $0x900;
	v3 =	vperm.xlane v3, v2  }
0x99: {  	[tilespmem:s12], [sflag:$0x1] =	stream.indirect_vreg.gather [hbm4b:s6+s3], $0x80, v4, vm0, $0xb8;
	[tilespmem:$0x10100] =	vst v63  }
0x9a: {  	v3 =	vadd.s32 v1, v3;
	s12 =	simm.s32 $0x1100  }
0x9b: {  	[tilespmem:s12], [sflag:$0x1] =	stream.indirect_vreg.gather [hbm4b:s7+s3], $0x80, v4, vm0, $0xb8;
	[tilespmem:$0x10100] =	vst v63  }
0x9c: {  	s12 =	simm.s32 $0x1900  }
0x9d: {  	[tilespmem:s12], [sflag:$0x1] =	stream.indirect_vreg.gather [hbm4b:s8+s3], $0x80, v4, vm0, $0xb8;
	[tilespmem:$0x10100] =	vst v63  }
0x9e: {  	s12 =	simm.s32 $0x2100  }
0x9f: {  	[tilespmem:s12], [sflag:$0x1] =	stream.indirect_vreg.gather [hbm4b:s2+s3], $0x80, v3, vm0, $0xb8;
	[tilespmem:$0x10100] =	vst v63  }
0xa0: {  	s12 =	simm.s32 $0x2900  }
0xa1: {  	[tilespmem:s12], [sflag:$0x1] =	stream.indirect_vreg.gather [hbm4b:s6+s3], $0x80, v3, vm0, $0xb8;
	[tilespmem:$0x10100] =	vst v63  }
0xa2: {  	s12 =	simm.s32 $0x3100  }
0xa3: {  	[tilespmem:s12], [sflag:$0x1] =	stream.indirect_vreg.gather [hbm4b:s7+s3], $0x80, v3, vm0, $0xb8;
	[tilespmem:$0x10100] =	vst v63  }
0xa4: {  	s12 =	simm.s32 $0x3900  }
0xa5: {  	[tilespmem:s12], [sflag:$0x1] =	stream.indirect_vreg.gather [hbm4b:s8+s3], $0x80, v3, vm0, $0xb8;
	[tilespmem:$0x10100] =	vst v63  }
0xa6: {  	v3 =	vld [tilespmem:$0x10];
	_ =	sdelay $0x4  }
0xa7: {  	v61 =	vshll.u32 v3, $0x3  }
0xa8: {  	v3 =	vand.u32 $0x7, v3;
	v4 =	vand.u32 $0xFFFFFFC0, v61  }
0xa9: {  	v3 =	vor.u32 v3, v4  }
0xaa: {  	v4 =	vperm.xlane v3, v0;
	_ =	sdelay $0x1  }
0xab: {  	v4 =	vadd.s32 v1, v4;
	_ =	sdelay $0x3  }
0xac: {  	s12 =	simm.s32 $0x4100  }
0xad: {  	[tilespmem:s12], [sflag:$0x1] =	stream.indirect_vreg.gather [hbm4b:s2+s3], $0x80, v4, vm0, $0xb8;
	[tilespmem:$0x10100] =	vst v63  }
0xae: {  	v3 =	vperm.xlane v3, v2;
	s12 =	simm.s32 $0x4900  }
0xaf: {  	[tilespmem:s12], [sflag:$0x1] =	stream.indirect_vreg.gather [hbm4b:s6+s3], $0x80, v4, vm0, $0xb8;
	[tilespmem:$0x10100] =	vst v63  }
0xb0: {  	v3 =	vadd.s32 v1, v3;
	s12 =	simm.s32 $0x5100  }
0xb1: {  	[tilespmem:s12], [sflag:$0x1] =	stream.indirect_vreg.gather [hbm4b:s7+s3], $0x80, v4, vm0, $0xb8;
	[tilespmem:$0x10100] =	vst v63  }
0xb2: {  	s12 =	simm.s32 $0x5900  }
0xb3: {  	[tilespmem:s12], [sflag:$0x1] =	stream.indirect_vreg.gather [hbm4b:s8+s3], $0x80, v4, vm0, $0xb8;
	[tilespmem:$0x10100] =	vst v63  }
0xb4: {  	s12 =	simm.s32 $0x6100  }
0xb5: {  	[tilespmem:s12], [sflag:$0x1] =	stream.indirect_vreg.gather [hbm4b:s2+s3], $0x80, v3, vm0, $0xb8;
	[tilespmem:$0x10100] =	vst v63  }
0xb6: {  	s12 =	simm.s32 $0x6900  }
0xb7: {  	[tilespmem:s12], [sflag:$0x1] =	stream.indirect_vreg.gather [hbm4b:s6+s3], $0x80, v3, vm0, $0xb8;
	[tilespmem:$0x10100] =	vst v63  }
0xb8: {  	s12 =	simm.s32 $0x7100  }
0xb9: {  	[tilespmem:s12], [sflag:$0x1] =	stream.indirect_vreg.gather [hbm4b:s7+s3], $0x80, v3, vm0, $0xb8;
	[tilespmem:$0x10100] =	vst v63  }
0xba: {  	s12 =	simm.s32 $0x7900  }
0xbb: {  	[tilespmem:s12], [sflag:$0x1] =	stream.indirect_vreg.gather [hbm4b:s8+s3], $0x80, v3, vm0, $0xb8;
	[tilespmem:$0x10100] =	vst v63  }
0xbc: {  	_ =	swait.ge [sflag:s0], $0x8000  }
0xbd: {  	[sflag:s0] =	ssyncset.done $0x0  }
0xbe: {  	s12 =	simm.s32 $0x80;
	[sflag:s0] =	ssyncadd.s32 $0xFFFF8000  }
0xbf: {  	[tilespmem:s12], [sflag:$0x5] =	stream.linear.gather [hbm4b:s10+s3], $0x20, $0x38;
	[tilespmem:$0x10100] =	vst v63  }
0xc0: {  	_ =	swait.ge [sflag:s15], $0x20  }
0xc1: {  	[sflag:s15] =	ssyncset.done $0x0  }
0xc2: {  	[sflag:s15] =	ssyncadd.s32 $0xFFFFFFE0  }
0xc3: {  	v3 =	vld [tilespmem:$0x80];
	_ =	sdelay $0x4  }
0xc4: {  	v62 =	vshll.u32 v3, $0x3  }
0xc5: {  	v3 =	vand.u32 $0x7, v3;
	v4 =	vand.u32 $0xFFFFFFC0, v62  }
0xc6: {  	v3 =	vor.u32 v3, v4  }
0xc7: {  	v4 =	vperm.xlane v3, v0;
	_ =	sdelay $0x1  }
0xc8: {  	v4 =	vadd.s32 v1, v4;
	_ =	sdelay $0x4  }
0xc9: {  	[tilespmem:s9], [sflag:$0x2] =	stream.indirect_vreg.gather [hbm4b:s2+s3], $0x80, v4, vm0, $0xb8;
	[tilespmem:$0x10100] =	vst v63  }
0xca: {  	s12 =	simm.s32 $0x8900;
	v3 =	vperm.xlane v3, v2  }
0xcb: {  	[tilespmem:s12], [sflag:$0x2] =	stream.indirect_vreg.gather [hbm4b:s6+s3], $0x80, v4, vm0, $0xb8;
	[tilespmem:$0x10100] =	vst v63  }
0xcc: {  	v3 =	vadd.s32 v1, v3;
	s12 =	simm.s32 $0x9100  }
0xcd: {  	[tilespmem:s12], [sflag:$0x2] =	stream.indirect_vreg.gather [hbm4b:s7+s3], $0x80, v4, vm0, $0xb8;
	[tilespmem:$0x10100] =	vst v63  }
0xce: {  	s12 =	simm.s32 $0x9900  }
0xcf: {  	[tilespmem:s12], [sflag:$0x2] =	stream.indirect_vreg.gather [hbm4b:s8+s3], $0x80, v4, vm0, $0xb8;
	[tilespmem:$0x10100] =	vst v63  }
0xd0: {  	_ = 	snop  }
0xd1: {  	[tilespmem:s13], [sflag:$0x2] =	stream.indirect_vreg.gather [hbm4b:s2+s3], $0x80, v3, vm0, $0xb8;
	[tilespmem:$0x10100] =	vst v63  }
0xd2: {  	_ = 	snop  }
0xd3: {  	[tilespmem:s17], [sflag:$0x2] =	stream.indirect_vreg.gather [hbm4b:s6+s3], $0x80, v3, vm0, $0xb8;
	[tilespmem:$0x10100] =	vst v63  }
0xd4: {  	_ = 	snop  }
0xd5: {  	[tilespmem:s18], [sflag:$0x2] =	stream.indirect_vreg.gather [hbm4b:s7+s3], $0x80, v3, vm0, $0xb8;
	[tilespmem:$0x10100] =	vst v63  }
0xd6: {  	_ = 	snop  }
0xd7: {  	[tilespmem:s19], [sflag:$0x2] =	stream.indirect_vreg.gather [hbm4b:s8+s3], $0x80, v3, vm0, $0xb8;
	[tilespmem:$0x10100] =	vst v63  }
0xd8: {  	v3 =	vld [tilespmem:$0x90];
	_ =	sdelay $0x4  }
0xd9: {  	v63 =	vshll.u32 v3, $0x3  }
0xda: {  	v3 =	vand.u32 $0x7, v3;
	v4 =	vand.u32 $0xFFFFFFC0, v63  }
0xdb: {  	v3 =	vor.u32 v3, v4  }
0xdc: {  	v4 =	vperm.xlane v3, v0;
	_ =	sdelay $0x1  }
0xdd: {  	v4 =	vadd.s32 v1, v4;
	_ =	sdelay $0x4  }
0xde: {  	[tilespmem:s20], [sflag:$0x2] =	stream.indirect_vreg.gather [hbm4b:s2+s3], $0x80, v4, vm0, $0xb8;
	[tilespmem:$0x10100] =	vst v63  }
0xdf: {  	v3 =	vperm.xlane v3, v2  }
0xe0: {  	[tilespmem:s21], [sflag:$0x2] =	stream.indirect_vreg.gather [hbm4b:s6+s3], $0x80, v4, vm0, $0xb8;
	[tilespmem:$0x10100] =	vst v63  }
0xe1: {  	v3 =	vadd.s32 v1, v3  }
0xe2: {  	[tilespmem:s22], [sflag:$0x2] =	stream.indirect_vreg.gather [hbm4b:s7+s3], $0x80, v4, vm0, $0xb8;
	[tilespmem:$0x10100] =	vst v63  }
0xe3: {  	_ = 	snop  }
0xe4: {  	[tilespmem:s23], [sflag:$0x2] =	stream.indirect_vreg.gather [hbm4b:s8+s3], $0x80, v4, vm0, $0xb8;
	[tilespmem:$0x10100] =	vst v63  }
0xe5: {  	_ = 	snop  }
0xe6: {  	[tilespmem:s24], [sflag:$0x2] =	stream.indirect_vreg.gather [hbm4b:s2+s3], $0x80, v3, vm0, $0xb8;
	[tilespmem:$0x10100] =	vst v63  }
0xe7: {  	_ = 	snop  }
0xe8: {  	[tilespmem:s25], [sflag:$0x2] =	stream.indirect_vreg.gather [hbm4b:s6+s3], $0x80, v3, vm0, $0xb8;
	[tilespmem:$0x10100] =	vst v63  }
.Ltmp3:
0xe9: {  	_ = 	snop;
	(pc) =	sbr.rel .LBB2_2-.Ltmp3, $4  }
0xea: {  	_ = 	snop  }
0xeb: {  	[tilespmem:s26], [sflag:$0x2] =	stream.indirect_vreg.gather [hbm4b:s7+s3], $0x80, v3, vm0, $0xb8;
	[tilespmem:$0x10100] =	vst v63  }
0xec: {  	s5 =	sadd.s32 $0x2000, s5;
	s1 =	sadd.s32 $0x40, s1;
	s10 =	sadd.s32 $0x8, s10  }
0xed: {  	[tilespmem:s28], [sflag:$0x2] =	stream.indirect_vreg.gather [hbm4b:s8+s3], $0x80, v3, vm0, $0xb8;
	[tilespmem:$0x10100] =	vst v63  }
.LBB2_5:
0xee: {  	_ =	sfence.sel $0x180000  }
0xef: {  	[bflag:$0x0] =	sbarrier.arrive $0xFFFF  }
0xf0: {  	_ =	strace $0x90000047  }
0xf1: {  	s0 =	stileid.u32;
	[bflag:$0x2] =	sbarrier.arrive $0xFFFF  }
0xf2: {  	p0 =	sne.s32 s0, $0x0;
	s0 =	rddreg [dreg:$0x2]  }
0xf3: {  	s0 =	sadd.s32 @!p0 $0x100000, s0  }
0xf4: {  	[sflag:s0] =	ssyncadd.tile.s32 @!p0 $0x1;
	_ =	shalt  }
.Lfunc_end2:
_tile_overlayer_lowered:
.L_overlay_start_2:
0xf5: {  	(tag) =	ssettag $0x2  }
0xf6: {  	s0 =	rddreg [dreg:$0x0];
	s2 =	stileid.u32  }
0xf7: {  	s1 =	rddreg [dreg:$0x1];
	p0 =	sne.s32 s2, $0x0  }
0xf8: {  	s3 =	rddreg [dreg:$0x2];
	[bflag:$0x3] =	sbarrier.arrive $0xFFFF;
	s2 =	simm.s32 @!p0 $0x1C05  }
0xf9: {  	[timem:s3], [sflag:s2] =	dma.local @!p0 [hbm:s0], s1  }
0xfa: {  	s0 =	simm.s32 @!p0 $0x5  }
0xfb: {  	_ =	swait.ge @!p0 [sflag:s0], s1  }
0xfc: {  	s1 =	ssub.s32 @!p0 $0x0, s1;
	[sflag:s0] =	ssyncset.done @!p0 $0x0  }
0xfd: {  	[sflag:s0] =	ssyncadd.s32 @!p0 s1  }
0xfe: {  	[bflag:$0x3] =	sbarrier.arrive $0xFFFF  }
0xff: {  	_ =	shalt  }

// kernel: sparse-core-data-format-call.cloned.1.call-start
scs
called_computation_lowered:
.L_overlay_start_0:
0x0: {  	s2 =	sld [smem:$0x3FD9]  }
0x1: {  	s3 =	sld [smem:$0x3FFE];
	_ =	sdelay $0x1  }
0x2: {  	s1 =	srdreg.scid  }
0x3: {  	s0 =	sand.u32 $0x1, s1  }
0x4: {  	s16 =	sshll.u32 s0, $0xA;
	s2 =	sadd.s32 s3, s2  }
0x5: {  	s2 =	sadd.s32 s2, s16  }
0x6: {  	[smem:$0x3FC5] =	sst s2  }
0x7: {  	_ = 	snop  }
0x8: {  	s2 =	sld [smem:$0x3FD0];
	_ =	sdelay $0x2  }
0x9: {  	s17 =	simm.s32 $0xB;
	s4 =	simm.s32 $0x10  }
0xa: {  	[smem:s4], [sflag:s17] =	dma.local [hbm:s2], $0x1  }
0xb: {  	_ =	swait.eq [sflag:s17], $0x1  }
0xc: {  	[sflag:s17] =	ssyncset.done $0x0  }
0xd: {  	[sflag:s17] =	ssyncadd.s32 $0xFFFFFFFF  }
0xe: {  	s18 =	sld [smem:$0x10];
	(tm) =	ssettm $0x1  }
0xf: {  	s19 =	sld [smem:$0x3FFB];
	_ =	sdelay $0x3  }
0x10: {  	_ =	strace s19  }
0x11: {  	s2 =	sld [smem:$0x3FFC];
	_ =	sdelay $0x3  }
0x12: {  	_ =	strace s2  }
0x13: {  	s2 =	sld [smem:$0x3FFD];
	_ =	sdelay $0x3  }
0x14: {  	_ =	strace s2  }
0x15: {  	_ =	strace $0x8FFFFFFF  }
0x16: {  	s20 =	sld [smem:$0x3FDB];
	_ =	sdelay $0x1  }
0x17: {  	s21 =	simm.s32 $_scs_section_size  }
0x18: {  	s5 =	simm.s32 $_size__tile_overlayer_lowered;
	s6 =	simm.s32 $_tile_overlayer_lowered  }
0x19: {  	s7 =	simm.s32 $0x1BFF;
	s22 =	sshll.u32 s6, $0x1;
	s4 =	sadd.s32 s21, s20  }
0x1a: {  	s23 =	simm.s32 $0x0;
	s5 =	sshll.u32 s5, $0x1;
	s6 =	sadd.s32 s22, s4  }
0x1b: {  	[timem:s23], [sflag:s7] =	dma.local [hbm:s6], s5  }
0x1c: {  	_ =	swait.ge [sflag:s7], s5  }
0x1d: {  	s5 =	ssub.s32 $0x0, s5;
	[sflag:s7] =	ssyncset.done $0x0  }
0x1e: {  	[sflag:s7] =	ssyncadd.s32 s5;
	_ =	sdelay $0x1  }
0x1f: {  	s24 =	simm.s32 $0x1B8B  }
0x20: {  	_ =	swait.ge [sflag:s24], $0x1  }
0x21: {  	[sflag:s24] =	ssyncset.done $0x0  }
0x22: {  	[sflag:s24] =	ssyncadd.s32 $0xFFFFFFFF  }
0x23: {  	s5 =	sld [smem:$0x0]  }
0x24: {  	s6 =	sand.u32 $0xFFFFFFFE, s1  }
0x25: {  	p0 =	sne.s32 s1, s6  }
0x26: {  	s6 =	sshll.u32 @p0 s6, $0xE  }
0x27: {  	s6 =	sadd.s32 @p0 $0x11B8D, s6;
	s7 =	sshll.u32 @p0 s5, $0x11  }
0x28: {  	s6 =	sor.u32 @p0 s7, s6  }
0x29: {  	[sflag:s6] =	ssyncadd.remote.s32 @p0 $0x1;
	_ =	sdelay $0x1  }
0x2a: {  	s6 =	simm.s32 @p0 $0x1B8D  }
0x2b: {  	_ =	swait.eq @p0 [sflag:s6], $0x1  }
0x2c: {  	[sflag:s6] =	ssyncadd.s32 @p0 $0xFFFFFFFF  }
0x2d: {  	s7 =	sshll.u32 @!p0 s1, $0xE  }
0x2e: {  	s7 =	sor.u32 @!p0 $0x4000, s7;
	s6 =	simm.s32 @!p0 $0x1B8D  }
0x2f: {  	s5 =	sshll.u32 @!p0 s5, $0x11;
	s7 =	sadd.s32 @!p0 $0x11B8D, s7;
	_ =	swait.eq @!p0 [sflag:s6], $0x1  }
0x30: {  	s5 =	sor.u32 @!p0 s5, s7;
	[sflag:s6] =	ssyncadd.s32 @!p0 $0xFFFFFFFF  }
0x31: {  	s26 =	simm.s32 $0x1B8E;
	s25 =	sld [smem:$0x3FFE];
	[sflag:s5] =	ssyncadd.remote.s32 @!p0 $0x1  }
0x32: {  	s27 =	simm.s32 $execute0_lowered;
	[smem:$0x3FD2] =	sst s26  }
0x33: {  	s6 =	sshll.u32 s27, $0x1;
	_ =	strace $0x8000004C;
	[dreg:$0x1] =	wrdreg $0xFFFFFFFF  }
0x34: {  	s28 =	simm.s32 $_size_execute0_lowered;
	s4 =	sadd.s32 s4, s6;
	[dreg:$0x0] =	wrdreg $0x0  }
0x35: {  	s6 =	sshll.u32 s28, $0x1;
	[dreg:$0x2] =	wrdreg s4  }
0x36: {  	[dreg:$0x3] =	wrdreg s6  }
0x37: {  	[dreg:$0x4] =	wrdreg $0xC0  }
0x38: {  	_ =	task [dreg:s23], $0x5FFFF  }
0x39: {  	[dreg:$0x1] =	wrdreg $0xFFFFFFFF  }
0x3a: {  	[dreg:$0x0] =	wrdreg $0x60  }
0x3b: {  	[dreg:$0x2] =	wrdreg s25  }
0x3c: {  	[dreg:$0x3] =	wrdreg s18  }
0x3d: {  	[dreg:$0x4] =	wrdreg $0xA  }
0x3e: {  	_ =	task.clear_ibuf [dreg:s23], $0x5FFFF;
	_ =	strace $0x9000004C  }
0x3f: {  	s29 =	simm.s32 $0xA;
	_ =	strace $0x8000004E  }
0x40: {  	_ =	swait.ge [sflag:s29], $0x1  }
0x41: {  	[sflag:s29] =	ssyncadd.s32 $0xFFFFFFFF  }
0x42: {  	_ =	strace $0x9000004E  }
0x43: {  	_ =	sfence  }
0x44: {  	s30 =	sld [smem:$0x0];
	_ =	sdelay $0x2  }
0x45: {  	s31 =	sshll.u32 s1, $0xD;
	s1 =	sshrl.u32 s1, $0x2  }
0x46: {  	s4 =	sand.u32 $0x4000, s31;
	s1 =	sadd.s32 s1, s30  }
0x47: {  	s0 =	sor.u32 s4, s0;
	s1 =	sshll.u32 s1, $0x11  }
0x48: {  	s0 =	sor.u32 s1, s0  }
0x49: {  	s0 =	sadd.s32 $0x8F2B, s0  }
0x4a: {  	[sflag:s0] =	ssyncadd.remote.s32 $0x1  }
0x4b: {  	_ =	sfence.sel $0xFFFF  }
0x4c: {  	[dreg:$0x0] =	wrdreg $0xFFFFFFFF;
	(pc) =	sbr.abs _section_cstart, $3  }
0x4d: {  	[dreg:$0x1] =	wrdreg $0xFFFFFFFF  }
0x4e: {  	_ =	task.clear_ibuf [dreg:s23], $0x2FFFF;
	_ =	strace $0x9FFFFFFF  }
0x4f: {  	(tm) =	ssettm $0x7FFFFFFF  }
tec
execute0_lowered:
.L_overlay_start_1:
0x0: {  	(tag) =	ssettag $0x1  }
0x1: {  	s4 =	rddreg [dreg:$0x0]  }
0x2: {  	s2 =	rddreg [dreg:$0x1];
	s1 =	stileid.u32  }
0x3: {  	s3 =	srdreg.scid;
	s0 =	rddreg [dreg:$0x2];
	_ =	strace $0x8000004D  }
0x4: {  	s10 =	simm.s32 $0x2;
	s14 =	simm.s32 $0x0;
	s16 =	simm.s32 $0x0  }
0x5: {  	s12 =	simm.s32 $0x0;
	s15 =	simm.s32 $0x0;
	s3 =	sshll.u32 s3, $0x4  }
0x6: {  	s5 =	sshll.u32 s1, $0x7;
	s4 =	sadd.s32 $0x2A00, s4;
	s6 =	sand.u32 $0x10, s3  }
0x7: {  	s3 =	sand.u32 $0x180, s5;
	s5 =	simm.s32 $0x1;
	s8 =	sor.u32 s1, s6  }
0x8: {  	s31 =	ssub.s32 $0xC800, s3;
	[sflag:s5] =	ssyncpa.u1 $0x0;
	s13 =	smov.u32 s3  }
.Ltmp0:
0x9: {  	s7 =	sshll.u32 s8, $0x5;
	s9 =	sand.u32 $0x180, s31;
	(pc) =	sbr.rel .LBB1_1-.Ltmp0, $4  }
0xa: {  	s11 =	sshrl.u32 s31, $0x9;
	p0 =	sne.s32 s9, $0x0;
	s9 =	simm.s32 $0x1  }
0xb: {  	[sflag:s10] =	ssyncpa.u1 $0x0;
	s8 =	sshll.u32 s8, $0x8;
	s9 =	simm.s32 @!p0 $0x0  }
0xc: {  	s10 =	simm.s32 $0x64000;
	s6 =	sand.u32 $0x380, s7;
	s7 =	sadd.s32 s9, s11  }
0xd: {  	p0 =	por $0x0, $0x0;
	s11 =	simm.s32 $0x0;
	s9 =	sadd.s32 $0x1, s7  }
.LBB1_4:
0xe: {  	s22 =	sshrl.u32 s11, $0x3  }
0xf: {  	s23 =	sshll.u32 s12, $0x3;
	s24 =	sand.u32 $0x7F, s12;
	s22 =	smul.u32 $0x64000, s22  }
0x10: {  	v5 =	vld [tilespmem:s18+$0xFFFFFFD0];
	s21 =	sshra.s32 s21, $0x2;
	s25 =	sshra.s32 s12, $0x1F;
	s23 =	sand.u32 $0xFFFFFC00, s23  }
0x11: {  	[tilespmem:s20+$0x2040 ss:$0x81] =	vst.msk $0xffff, v4;
	v58 =	vld [tilespmem:s18+$0xFFFFFFE0];
	p1 =	sgt.s32 s12, $0xC780;
	s25 =	sand.u32 s25, s12;
	s22 =	sadd.s32 s23, s22  }
0x12: {  	[tilespmem:s20+$0x2850 ss:$0x81] =	vst.msk $0xffff, v3;
	v59 =	vld [tilespmem:s18+$0xFFFFFFF0];
	s23 =	sor.u32 s24, s22;
	s22 =	smulhi.u32 $0x51EB851F, s22;
	s24 =	smov.u32 s12  }
0x13: {  	[tilespmem:s20+$0x3060 ss:$0x81] =	vst.msk $0xffff, v2;
	v60 =	vld [tilespmem:s18+$0x0];
	s19 =	sadd.s32 s21, s19;
	s26 =	smulhi.u32 $0x51EB851F, s23;
	s24 =	simm.s32 @!p1 $0xC780  }
0x14: {  	[tilespmem:s20+$0x0 ss:$0x81] =	vst.msk $0xffff, v0;
	v61 =	vld [tilespmem:s18+$0x10];
	p1 =	sgt.s32 s11, $0x368;
	s28 =	sshrl.u32 s22, $0xE;
	s29 =	ssub.s32 s24, s25  }
0x15: {  	[tilespmem:s19+$0x3870 ss:$0x81] =	vst.msk $0xffff, v1;
	s30 =	sshrl.u32 s26, $0xE;
	s31 =	smulhi.u32 $0x418938, s28;
	s25 =	sadd.s32 $0xFFFF3880, s29  }
0x16: {  	v62 =	vld [tilespmem:s18+$0x20];
	[tilespmem:s19+$0x810 ss:$0x81] =	vst.msk $0xffff, v5;
	s22 =	smul.u32 $0xC800, s30;
	p2 =	sgt.s32 s25, $0x7F;
	s25 =	smov.u32 s11  }
0x17: {  	v63 =	vld [tilespmem:s18+$0xFFFFFFC0];
	[tilespmem:s19+$0x1020 ss:$0x81] =	vst.msk $0xffff, v58;
	s21 =	ssub.s32 $0xC800, s29;
	s25 =	simm.s32 @!p1 $0x368;
	s26 =	smul.u32 $0x3E8, s31  }
0x18: {  	[tilespmem:s19+$0x1830 ss:$0x81] =	vst.msk $0xffff, v59;
	s21 =	simm.s32 @p2 $0x0;
	s27 =	ssub.s32 $0x3E8, s25  }
0x19: {  	[tilespmem:s19+$0x2040 ss:$0x81] =	vst.msk $0xffff, v60;
	s22 =	ssub.s32 s23, s22;
	s18 =	ssub.s32 s28, s26;
	s28 =	smul.u32 s27, s21  }
0x1a: {  	[tilespmem:s19+$0x2850 ss:$0x81] =	vst.msk $0xffff, v61;
	s29 =	sshrl.u32 s22, $0x3;
	s22 =	sand.u32 $0x7, s22;
	s18 =	smul.u32 $0x1900, s18  }
0x1b: {  	[tilespmem:s19+$0x3060 ss:$0x81] =	vst.msk $0xffff, v62;
	s21 =	sadd.s32 s2, s29;
	s22 =	sshll.u32 s22, $0x12  }
0x1c: {  	[tilespmem:s19+$0x0 ss:$0x81] =	vst.msk $0xffff, v63;
	s30 =	sand.u32 $0x3FFFFFF8, s28;
	s31 =	sor.u32 $0x400, s22;
	s18 =	sadd.s32 s18, s21  }
0x1d: {  	[hbm4b:s18+s31] =	stream.strided.scatter [tilespmem:s17], [sflag:$0x2], s30, s10, s31, $0x20;
	[tilespmem:$0x10100] =	vst v63  }
.LBB1_5:
0x1e: {  	p1 =	slt.u32 s15, $0x2  }
0x1f: {  	p2 =	sgt.s32 @!p1 s16, $0xC780  }
0x20: {  	s17 =	smov.u32 s16;
	s18 =	sshra.s32 @!p1 s16, $0x1F;
	p2 =	por !p2, p1  }
0x21: {  	s16 =	sand.u32 @!p1 s18, s16;
	s17 =	simm.s32 @p2 $0xC780  }
0x22: {  	s16 =	ssub.s32 @!p1 s17, s16  }
0x23: {  	p2 =	sgt.s32 @!p1 s14, $0x368;
	s17 =	sadd.s32 @!p1 $0xFFFF3880, s16  }
0x24: {  	s18 =	sadd.s32 $0x200, s13;
	p2 =	por !p2, p1;
	p3 =	sgt.s32 @!p1 s17, $0x7F  }
0x25: {  	s14 =	simm.s32 @p2 $0x368;
	s16 =	ssub.s32 @!p1 $0xC800, s16;
	p2 =	por !p3, p1  }
0x26: {  	s14 =	ssub.s32 @!p1 $0x3E8, s14;
	s16 =	simm.s32 @!p2 $0x0;
	p2 =	sgt.s32 s18, $0xC7FF  }
0x27: {  	s14 =	smul.u32 @!p1 s14, s16;
	s18 =	smov.u32 @p2 s3;
	p2 =	sne.s32 s15, s9  }
.Ltmp1:
0x28: {  	s20 =	sadd.s32 $0x1, s15;
	p0 =	por !p0, !p0;
	(pc) =	sbr.rel @!p2 .LBB1_6-.Ltmp1, $4  }
0x29: {  	s17 =	simm.s32 @!p1 $0x2;
	s16 =	smov.u32 s12;
	s14 =	sand.u32 @!p1 $0x3FFFFFFF, s14  }
0x2a: {  	s12 =	smov.u32 s13;
	s15 =	smov.u32 s20;
	_ =	swait.ge @!p1 [sflag:s17], s14  }
0x2b: {  	s13 =	smov.u32 s18;
	s19 =	ssub.s32 @!p1 $0x0, s14;
	[sflag:s17] =	ssyncset.done @!p1 $0x0  }
0x2c: {  	s14 =	smov.u32 s11;
	s11 =	smov.u32 s6;
	[sflag:s17] =	ssyncadd.s32 @!p1 s19  }
.LBB1_1:
0x2d: {  	p1 =	sge.u32 s15, s7  }
0x2e: {  	s17 =	sshll.u32 @!p1 s13, $0xA  }
0x2f: {  	s17 =	sand.u32 @!p1 $0xFFFFE000, s17  }
0x30: {  	s17 =	sor.u32 @!p1 s8, s17  }
0x31: {  	s17 =	sshrl.u32 @!p1 s17, $0xA  }
0x32: {  	s18 =	smulhi.u32 @!p1 $0x28F5C3, s17;
	_ =	sdelay $0x1  }
0x33: {  	s18 =	sshrl.u32 @!p1 s18, $0x5  }
0x34: {  	s18 =	smul.u32 @!p1 $0xC800, s18  }
0x35: {  	s31 =	sadd.s32 $0xFFFFFFFF, s15;
	s19 =	sxor.u32 @!p1 $0xFFFFFFFF, s15;
	s20 =	sshll.u32 @!p1 s13, $0x4  }
0x36: {  	s19 =	sshll.u32 @!p1 s19, $0xE;
	s17 =	ssub.s32 @!p1 s17, s18;
	s18 =	sand.u32 @!p1 $0x70, s20  }
0x37: {  	s19 =	sand.u32 @!p1 $0x4000, s19;
	s17 =	sshll.u32 @!p1 s17, $0x7;
	s18 =	sadd.s32 @!p1 s4, s18  }
0x38: {  	s20 =	simm.s32 @!p1 $0x2000;
	s17 =	sadd.s32 @!p1 s17, s18;
	s18 =	simm.s32 @!p1 $0x400  }
0x39: {  	[tilespmem:s19], [sflag:$0x1] =	stream.strided.gather @!p1 [hbm4b:s17+s18], $0x4000, s20, s18, $0x38;
	[tilespmem:$0x10100] =	vst v63  }
0x3a: {  	p1 =	sge.u32 s31, s7  }
.Ltmp2:
0x3b: {  	_ = 	snop;
	(pc) =	sbr.rel @p1 .LBB1_5-.Ltmp2, $1  }
0x3c: {  	_ =	sdelay $0x3  }
0x3d: {  	s17 =	simm.s32 $0x1  }
0x3e: {  	_ =	swait.ge [sflag:s5], $0x4000;
	s17 =	simm.s32 @!p0 $0x0  }
0x3f: {  	[sflag:s5] =	ssyncset.done $0x0;
	s18 =	sshll.u32 s17, $0xE  }
0x40: {  	[sflag:s5] =	ssyncadd.s32 $0xFFFFC000;
	s18 =	sor.u32 $0x40, s18  }
0x41: {  	s17 =	smul.u32 $0x10200, s17;
	v0 =	vld [tilespmem:s18+$0x30]  }
0x42: {  	v1 =	vld [tilespmem:s18+$0xFFFFFFD0]  }
0x43: {  	s17 =	sshrl.u32 s17, $0x2;
	v5 =	vld [tilespmem:s18+$0xFFFFFFE0]  }
0x44: {  	v6 =	vld [tilespmem:s18+$0xFFFFFFF0];
	s19 =	sor.u32 $0x8000, s17  }
0x45: {  	s31 =	sand.u32 $0x1, s15;
	v4 =	vld [tilespmem:s18+$0x0];
	s20 =	sadd.s32 $0x0, s19  }
0x46: {  	v3 =	vld [tilespmem:s18+$0x10];
	s17 =	smul.u32 $0x10200, s31;
	[tilespmem:s20+$0x3870 ss:$0x81] =	vst.msk $0xffff, v0  }
0x47: {  	v2 =	vld [tilespmem:s18+$0x20];
	[tilespmem:s20+$0x810 ss:$0x81] =	vst.msk $0xffff, v1  }
0x48: {  	s17 =	sshrl.u32 s17, $0x2;
	v0 =	vld [tilespmem:s18+$0xFFFFFFC0];
	[tilespmem:s20+$0x1020 ss:$0x81] =	vst.msk $0xffff, v5;
	s18 =	sadd.s32 $0x80, s18  }
0x49: {  	s21 =	simm.s32 $0x4;
	s22 =	simm.s32 $0x8;
	s17 =	sor.u32 $0x8000, s17;
	[tilespmem:s20+$0x1830 ss:$0x81] =	vst.msk $0xffff, v6;
	v1 =	vld [tilespmem:s18+$0x30]  }
.LBB1_3:
0x4a: {  	p1 =	sne.s32 s22, $0x1FC;
	v5 =	vld [tilespmem:s18+$0xFFFFFFD0];
	[tilespmem:s20+$0x2040 ss:$0x81] =	vst.msk $0xffff, v4  }
0x4b: {  	v6 =	vld [tilespmem:s18+$0xFFFFFFE0];
	[tilespmem:s20+$0x2850 ss:$0x81] =	vst.msk $0xffff, v3  }
0x4c: {  	s23 =	sshra.s32 s21, $0x2;
	s21 =	smov.u32 s22;
	v7 =	vld [tilespmem:s18+$0xFFFFFFF0];
	[tilespmem:s20+$0x3060 ss:$0x81] =	vst.msk $0xffff, v2  }
.Ltmp3:
0x4d: {  	v4 =	vld [tilespmem:s18+$0x0];
	[tilespmem:s20+$0x0 ss:$0x81] =	vst.msk $0xffff, v0;
	s20 =	sadd.s32 s23, s19;
	(pc) =	sbr.rel @p1 .LBB1_3-.Ltmp3, $4  }
0x4e: {  	v3 =	vld [tilespmem:s18+$0x10];
	[tilespmem:s20+$0x3870 ss:$0x81] =	vst.msk $0xffff, v1  }
0x4f: {  	[tilespmem:s20+$0x810 ss:$0x81] =	vst.msk $0xffff, v5;
	v2 =	vld [tilespmem:s18+$0x20]  }
0x50: {  	v0 =	vld [tilespmem:s18+$0xFFFFFFC0];
	[tilespmem:s20+$0x1020 ss:$0x81] =	vst.msk $0xffff, v6;
	s18 =	sadd.s32 $0x80, s18  }
0x51: {  	s22 =	sadd.s32 $0x4, s22;
	v1 =	vld [tilespmem:s18+$0x30];
	[tilespmem:s20+$0x1830 ss:$0x81] =	vst.msk $0xffff, v7  }
.Ltmp4:
0x52: {  	_ = 	snop;
	(pc) =	sbr.rel .LBB1_4-.Ltmp4, $1  }
0x53: {  	_ =	sdelay $0x3  }
.LBB1_6:
0x54: {  	_ =	sfence.sel $0x180000  }
0x55: {  	s2 =	simm.s32 $0x1;
	[bflag:$0x0] =	sbarrier.arrive $0xFFFF  }
0x56: {  	s31 =	simm.s32 $0x2;
	[sflag:s2] =	ssyncpa.u1 $0x1  }
0x57: {  	[sflag:s31] =	ssyncpa.u1 $0x1  }
0x58: {  	p0 =	sne.s32 s1, $0x0;
	_ =	strace $0x9000004D  }
0x59: {  	s0 =	sadd.s32 @!p0 $0x100000, s0;
	[bflag:$0x2] =	sbarrier.arrive $0xFFFF  }
0x5a: {  	[sflag:s0] =	ssyncadd.tile.s32 @!p0 $0x1;
	_ =	shalt  }
.Lfunc_end1:
_tile_overlayer_lowered:
.L_overlay_start_2:
0x5b: {  	(tag) =	ssettag $0x2  }
0x5c: {  	s0 =	rddreg [dreg:$0x0];
	s2 =	stileid.u32  }
0x5d: {  	s1 =	rddreg [dreg:$0x1];
	p0 =	sne.s32 s2, $0x0  }
0x5e: {  	s3 =	rddreg [dreg:$0x2];
	[bflag:$0x3] =	sbarrier.arrive $0xFFFF;
	s2 =	simm.s32 @!p0 $0x1C01  }
0x5f: {  	[timem:s3], [sflag:s2] =	dma.local @!p0 [hbm:s0], s1  }
0x60: {  	s0 =	simm.s32 @!p0 $0x1  }
0x61: {  	_ =	swait.ge @!p0 [sflag:s0], s1  }
0x62: {  	s1 =	ssub.s32 @!p0 $0x0, s1;
	[sflag:s0] =	ssyncset.done @!p0 $0x0  }
0x63: {  	[sflag:s0] =	ssyncadd.s32 @!p0 s1  }
0x64: {  	[bflag:$0x3] =	sbarrier.arrive $0xFFFF  }
0x65: {  	_ =	shalt  }

</sc_bundles>
